<compile_context>
chip_gen: v7x
topology: tpu7x:2x2x1
jax: 0.10.2.dev20260603
libtpu: 0.0.44.dev20260713+nightly
codegen_flags: <defaults>
</compile_context>

<pallas_src>
import functools

import jax
import jax.numpy as jnp
from jax import lax
from jax.experimental import pallas as pl
from jax.experimental.pallas import tpu as pltpu
from jax.experimental.pallas import tpu_sc as plsc

NC = 2
NS = 16
CK = 128
F = 128

_MESH = plsc.VectorSubcoreMesh(core_axis_name="c", subcore_axis_name="s")


def _make_deg_kernel(ch, nr, rpt):
    hch = ch // 2

    @functools.partial(
        pl.kernel,
        out_type=jax.ShapeDtypeStruct((NC, nr, F), jnp.float32),
        mesh=_MESH,
        scratch_types=[
            pltpu.VMEM((CK,), jnp.int32),
            pltpu.VMEM((CK,), jnp.int32),
            pltpu.VMEM((CK, F), jnp.float32),
            pltpu.VMEM_SHARED((nr, F), jnp.float32),
            pltpu.SemaphoreType.DMA,
            pltpu.SemaphoreType.DMA,
        ],
    )
    def deg_kernel(dst_hbm, zeros_hbm, ones_hbm, out, dst_v, dst_w, ones_v,
                   acc, sem_a, sem_b):
        c = lax.axis_index("c")
        s = lax.axis_index("s")

        pltpu.sync_copy(zeros_hbm, acc.at[pl.ds(s * rpt, rpt)])
        pltpu.sync_copy(ones_hbm, ones_v)
        plsc.subcore_barrier()

        base0 = (c * NS + s) * hch * CK
        pltpu.async_copy(dst_hbm.at[pl.ds(base0, CK)], dst_v, sem_a)
        pltpu.async_copy(dst_hbm.at[pl.ds(base0 + CK, CK)], dst_w, sem_b)

        def body(i, carry):
            j0 = 2 * i
            pltpu.make_async_copy(dst_hbm.at[pl.ds(base0, CK)],
                                  dst_v, sem_a).wait()
            pltpu.sync_copy(ones_v, acc.at[dst_v], add=True)

            @pl.when(i + 1 < hch // 2)
            def _():
                pltpu.async_copy(dst_hbm.at[pl.ds(base0 + (j0 + 2) * CK, CK)],
                                 dst_v, sem_a)

            pltpu.make_async_copy(dst_hbm.at[pl.ds(base0, CK)],
                                  dst_w, sem_b).wait()
            pltpu.sync_copy(ones_v, acc.at[dst_w], add=True)

            @pl.when(i + 1 < hch // 2)
            def _():
                pltpu.async_copy(dst_hbm.at[pl.ds(base0 + (j0 + 3) * CK, CK)],
                                 dst_w, sem_b)
            return carry

        lax.fori_loop(0, hch // 2, body, 0)
        plsc.subcore_barrier()
        pltpu.sync_copy(acc.at[pl.ds(s * rpt, rpt)],
                        out.at[c, pl.ds(s * rpt, rpt)])

    return deg_kernel


def _make_prop_kernel(ch, nr, rpt):
    nhalf = ch // 2

    @functools.partial(
        pl.kernel,
        out_type=jax.ShapeDtypeStruct((NC, nr, F), jnp.float32),
        mesh=_MESH,
        scratch_types=[
            pltpu.VMEM((CK,), jnp.int32),
            pltpu.VMEM((CK,), jnp.int32),
            pltpu.VMEM((CK,), jnp.int32),
            pltpu.VMEM((CK,), jnp.int32),
            pltpu.VMEM((CK, F), jnp.float32),
            pltpu.VMEM((CK, F), jnp.float32),
            pltpu.VMEM_SHARED((nr, F), jnp.float32),
            pltpu.SemaphoreType.DMA,
            pltpu.SemaphoreType.DMA,
            pltpu.SemaphoreType.DMA,
            pltpu.SemaphoreType.DMA,
        ],
    )
    def prop_kernel(src_hbm, dst_hbm, y_a, y_b, zeros_hbm, out,
                    src_a, dst_a, src_b, dst_b, rows_a, rows_b, acc,
                    sem_ia, sem_ib, sem_ga, sem_gb):
        c = lax.axis_index("c")
        s = lax.axis_index("s")

        pltpu.sync_copy(zeros_hbm, acc.at[pl.ds(s * rpt, rpt)])
        plsc.subcore_barrier()

        def run(y_hbm):
            pltpu.async_copy(src_hbm.at[s, 0], src_a, sem_ia)
            pltpu.async_copy(dst_hbm.at[s, 0], dst_a, sem_ia)
            pltpu.async_copy(src_hbm.at[s, 1], src_b, sem_ib)
            pltpu.async_copy(dst_hbm.at[s, 1], dst_b, sem_ib)

            def body(i, carry):
                j0 = 2 * i
                pltpu.make_async_copy(src_hbm.at[s, j0], src_a, sem_ia).wait()
                pltpu.make_async_copy(dst_hbm.at[s, j0], dst_a, sem_ia).wait()
                pltpu.async_copy(y_hbm.at[src_a], rows_a, sem_ga)
                pltpu.make_async_copy(src_hbm.at[s, j0], src_b, sem_ib).wait()
                pltpu.make_async_copy(dst_hbm.at[s, j0], dst_b, sem_ib).wait()
                pltpu.async_copy(y_hbm.at[src_b], rows_b, sem_gb)
                pltpu.make_async_copy(y_hbm.at[src_a], rows_a, sem_ga).wait()
                pltpu.sync_copy(rows_a, acc.at[dst_a], add=True)

                @pl.when(i + 1 < nhalf)
                def _():
                    pltpu.async_copy(src_hbm.at[s, j0 + 2], src_a, sem_ia)
                    pltpu.async_copy(dst_hbm.at[s, j0 + 2], dst_a, sem_ia)

                pltpu.make_async_copy(y_hbm.at[src_b], rows_b, sem_gb).wait()
                pltpu.sync_copy(rows_b, acc.at[dst_b], add=True)

                @pl.when(i + 1 < nhalf)
                def _():
                    pltpu.async_copy(src_hbm.at[s, j0 + 3], src_b, sem_ib)
                    pltpu.async_copy(dst_hbm.at[s, j0 + 3], dst_b, sem_ib)
                return carry

            lax.fori_loop(0, nhalf, body, 0)

        @pl.when(c == 0)
        def _():
            run(y_a)

        @pl.when(c == 1)
        def _():
            run(y_b)

        plsc.subcore_barrier()
        pltpu.sync_copy(acc.at[pl.ds(s * rpt, rpt)],
                        out.at[c, pl.ds(s * rpt, rpt)])

    return prop_kernel


def _mm1(x, w1, deg_a, deg_b):
    n, k = x.shape
    bm = 1000
    grid = n // bm

    def body(x_ref, w_ref, da_ref, db_ref, oa_ref, ob_ref, od_ref):
        xw = jnp.dot(x_ref[...], w_ref[...], preferred_element_type=jnp.float32)
        dinv = lax.rsqrt(da_ref[...] + db_ref[...] + 1.0)
        od_ref[...] = dinv
        y = xw * dinv
        oa_ref[...] = y[:, :F]
        ob_ref[...] = y[:, F:]

    return pl.pallas_call(
        body,
        grid=(grid,),
        in_specs=[
            pl.BlockSpec((bm, k), lambda i: (i, 0)),
            pl.BlockSpec((k, 2 * F), lambda i: (0, 0)),
            pl.BlockSpec((bm, 1), lambda i: (i, 0)),
            pl.BlockSpec((bm, 1), lambda i: (i, 0)),
        ],
        out_specs=[pl.BlockSpec((bm, F), lambda i: (i, 0))] * 2
        + [pl.BlockSpec((bm, 1), lambda i: (i, 0))],
        out_shape=(jax.ShapeDtypeStruct((n, F), jnp.float32),) * 2
        + (jax.ShapeDtypeStruct((n, 1), jnp.float32),),
    )(x, w1, deg_a, deg_b)


def _mm2(s_a, s_b, y_a, y_b, dinv_in, b1, wmu, wlv):
    n = s_a.shape[0]
    bm = 1000
    grid = n // bm

    def body(sa_ref, sb_ref, ya_ref, yb_ref, dinv_ref, b1_ref, wmu_ref,
             wlv_ref, oa_ref, ob_ref):
        dinv = dinv_ref[...]
        b = b1_ref[...]
        ha = jnp.maximum(dinv * (sa_ref[...] + ya_ref[...]) + b[:, :F], 0.0)
        hb = jnp.maximum(dinv * (sb_ref[...] + yb_ref[...]) + b[:, F:], 0.0)
        h = jnp.concatenate([ha, hb], axis=1)
        oa_ref[...] = dinv * jnp.dot(h, wmu_ref[...],
                                     preferred_element_type=jnp.float32)
        ob_ref[...] = dinv * jnp.dot(h, wlv_ref[...],
                                     preferred_element_type=jnp.float32)

    row = lambda i: (i, 0)
    fixed = lambda i: (0, 0)
    return pl.pallas_call(
        body,
        grid=(grid,),
        in_specs=[
            pl.BlockSpec((bm, F), row),
            pl.BlockSpec((bm, F), row),
            pl.BlockSpec((bm, F), row),
            pl.BlockSpec((bm, F), row),
            pl.BlockSpec((bm, 1), row),
            pl.BlockSpec((1, 2 * F), fixed),
            pl.BlockSpec((2 * F, F), fixed),
            pl.BlockSpec((2 * F, F), fixed),
        ],
        out_specs=[pl.BlockSpec((bm, F), row)] * 2,
        out_shape=(jax.ShapeDtypeStruct((n, F), jnp.float32),) * 2,
    )(s_a, s_b, y_a, y_b, dinv_in, b1, wmu, wlv)


def _fin(s_a, s_b, y_a, y_b, dinv_in, bmu, blv):
    n = s_a.shape[0]
    bm = 1000
    grid = n // bm

    def body(sa_ref, sb_ref, ya_ref, yb_ref, dinv_ref, bmu_ref, blv_ref,
             omu_ref, olv_ref):
        dinv = dinv_ref[...]
        omu_ref[...] = dinv * (sa_ref[...] + ya_ref[...]) + bmu_ref[...]
        olv_ref[...] = dinv * (sb_ref[...] + yb_ref[...]) + blv_ref[...]

    row = lambda i: (i, 0)
    fixed = lambda i: (0, 0)
    return pl.pallas_call(
        body,
        grid=(grid,),
        in_specs=[
            pl.BlockSpec((bm, F), row),
            pl.BlockSpec((bm, F), row),
            pl.BlockSpec((bm, F), row),
            pl.BlockSpec((bm, F), row),
            pl.BlockSpec((bm, 1), row),
            pl.BlockSpec((1, F), fixed),
            pl.BlockSpec((1, F), fixed),
        ],
        out_specs=[pl.BlockSpec((bm, F), row)] * 2,
        out_shape=(jax.ShapeDtypeStruct((n, F), jnp.float32),) * 2,
    )(s_a, s_b, y_a, y_b, dinv_in, bmu, blv)


def kernel(x, edge_index, W1, b1, Wmu, bmu, Wlv, blv):
    n = x.shape[0]
    e0 = edge_index.shape[1]

    ch = -(-e0 // (NS * CK))
    ch = (ch + 3) // 4 * 4
    ep = NS * ch * CK
    rpt = ((n + NS - 1) // NS + 15) // 16 * 16
    nr = NS * rpt
    trash = n

    src = edge_index[0].astype(jnp.int32)
    dst = edge_index[1].astype(jnp.int32)
    pad = ep - e0
    pad_iota = jnp.arange(pad, dtype=jnp.int32)
    src_p = jnp.concatenate([src, pad_iota % n])
    dst_p = jnp.concatenate([dst, trash + pad_iota % (nr - n)])
    zeros128 = jnp.zeros((rpt, F), jnp.float32)
    ones128 = jnp.ones((CK, F), jnp.float32)

    deg_kernel = _make_deg_kernel(ch, nr, rpt)
    prop_kernel = _make_prop_kernel(ch, nr, rpt)

    deg_p = deg_kernel(dst_p, zeros128, ones128)
    y1a, y1b, dinv = _mm1(x, W1, deg_p[0, :n, :1], deg_p[1, :n, :1])
    src3 = src_p.reshape(NS, ch, CK)
    dst3 = dst_p.reshape(NS, ch, CK)
    s1 = prop_kernel(src3, dst3, y1a, y1b, zeros128)
    y2a, y2b = _mm2(s1[0, :n], s1[1, :n], y1a, y1b, dinv,
                    b1.reshape(1, 2 * F), Wmu, Wlv)
    s2 = prop_kernel(src3, dst3, y2a, y2b, zeros128)
    mu, logvar = _fin(s2[0, :n], s2[1, :n], y2a, y2b, dinv,
                      bmu.reshape(1, F), blv.reshape(1, F))
    return (mu, logvar)

# --- scband reference (transcript-rebuilt; emitter-appended) ---
"""Pipeline reference for scband-gcnencoder-2284922601879 (READ-ONLY COPY).

The authoritative reference and input builder live on the scoring server;
editing this copy changes nothing except your own understanding.
"""

import jax, jax.numpy as jnp
import numpy as np

N_NODES = 10000


def gcn_conv(x, edge_index, W, b):
    n = x.shape[0]
    loop = jnp.arange(n, dtype=edge_index.dtype)
    src = jnp.concatenate([edge_index[0], loop])
    dst = jnp.concatenate([edge_index[1], loop])
    # symmetric normalization with self-loops (PyG GCNConv default)
    deg = jnp.zeros((n,), dtype=x.dtype).at[dst].add(1.0)
    dinv = jnp.where(deg > 0, deg ** -0.5, 0.0)
    norm = dinv[src] * dinv[dst]
    xw = x @ W
    msgs = norm[:, None] * jnp.take(xw, src, axis=0)
    out = jnp.zeros((n, W.shape[1]), dtype=x.dtype).at[dst].add(msgs)
    return out + b


def setup_inputs(seed: int = 0) -> dict:
    key = jax.random.key(seed)
    k1, k2, k3, k4, k5 = jax.random.split(key, 5)
    x = jax.random.normal(k1, (N_NODES, 128), dtype=jnp.float32)
    edge_index = jax.random.randint(k2, (2, 320000), 0, N_NODES, dtype=jnp.int64)
    # glorot-style init for linear weights, zero bias (PyG GCNConv defaults)
    W1 = jax.random.normal(k3, (128, 256), dtype=jnp.float32) * (1.0 / np.sqrt(128))
    b1 = jnp.zeros((256,), dtype=jnp.float32)
    Wmu = jax.random.normal(k4, (256, 128), dtype=jnp.float32) * (1.0 / np.sqrt(256))
    bmu = jnp.zeros((128,), dtype=jnp.float32)
    Wlv = jax.random.normal(k5, (256, 128), dtype=jnp.float32) * (1.0 / np.sqrt(256))
    blv = jnp.zeros((128,), dtype=jnp.float32)
    return {"x": x, "edge_index": edge_index, "W1": W1, "b1": b1,
            "Wmu": Wmu, "bmu": bmu, "Wlv": Wlv, "blv": blv}


def reference(x, edge_index, W1, b1, Wmu, bmu, Wlv, blv):
    h = jax.nn.relu(gcn_conv(x, edge_index, W1, b1))
    mu = gcn_conv(h, edge_index, Wmu, bmu)
    logvar = gcn_conv(h, edge_index, Wlv, blv)
    return (mu, logvar)

if __name__ == "__main__":
    import jax
    _d = setup_inputs()
    print(jax.jit(kernel)(*tuple(_d.values())))

</pallas_src>

<mosaic_0001>
#map = affine_map<(d0, d1) -> (0, 0, 0)>
#map1 = affine_map<(d0, d1) -> (0, 0)>
module attributes {stable_mosaic.version = 14 : i64} {
  func.func @prop_kernel(%arg0: i32, %arg1: i32, %arg2: memref<16x160x128xi32, #tpu.memory_space<hbm>>, %arg3: memref<16x160x128xi32, #tpu.memory_space<hbm>>, %arg4: memref<10000x128xf32, #tpu.memory_space<hbm>>, %arg5: memref<10000x128xf32, #tpu.memory_space<hbm>>, %arg6: memref<640x128xf32, #tpu.memory_space<hbm>>, %arg7: memref<2x10240x128xf32, #tpu.memory_space<hbm>>, %arg8: memref<128xi32, #tpu.memory_space<vmem>>, %arg9: memref<128xi32, #tpu.memory_space<vmem>>, %arg10: memref<128xi32, #tpu.memory_space<vmem>>, %arg11: memref<128xi32, #tpu.memory_space<vmem>>, %arg12: memref<128x128xf32, #tpu.memory_space<vmem>>, %arg13: memref<128x128xf32, #tpu.memory_space<vmem>>, %arg14: memref<10240x128xf32, #tpu.memory_space<vmem_shared>>, %arg15: memref<!tpu.dma_semaphore, #tpu.memory_space<semaphore_mem>>, %arg16: memref<!tpu.dma_semaphore, #tpu.memory_space<semaphore_mem>>, %arg17: memref<!tpu.dma_semaphore, #tpu.memory_space<semaphore_mem>>, %arg18: memref<!tpu.dma_semaphore, #tpu.memory_space<semaphore_mem>>) attributes {dimension_semantics = [#tpu.dimension_semantics<core_parallel>, #tpu.dimension_semantics<subcore_parallel>], iteration_bounds = array<i64: 2, 16>, scalar_prefetch = 0 : i64, scratch_operands = 11 : i64, tpu.core_type = #tpu.core_type<sc_vector_subcore>, window_params = [{transform_indices = #map}, {transform_indices = #map}, {transform_indices = #map1}, {transform_indices = #map1}, {transform_indices = #map1}, {transform_indices = #map}]} {
    %mul3A = arith.constant 640 : i32
    %mul3A_0 = arith.muli %arg1, %mul3A : i32
    "tpu.region"() ({
      %run_scoped3A = tpu.sem_alloc : memref<!tpu.dma_semaphore, #tpu.memory_space<semaphore_mem>>
      %dma_start3A = arith.constant 0 : i32
      %dma_start3A_13 = tpu.memref_slice %arg14[%mul3A_0, %dma_start3A] : memref<10240x128xf32, #tpu.memory_space<vmem_shared>> -> memref<640x128xf32, #tpu.memory_space<vmem_shared>>
      tpu.enqueue_dma source(%arg6 : memref<640x128xf32, #tpu.memory_space<hbm>>) target(%dma_start3A_13 : memref<640x128xf32, #tpu.memory_space<vmem_shared>>) target_semaphore(%run_scoped3A : memref<!tpu.dma_semaphore, #tpu.memory_space<semaphore_mem>>)
      %dma_wait3A = arith.constant 0 : i32
      %dma_wait3A_14 = tpu.memref_slice %arg14[%mul3A_0, %dma_wait3A] : memref<10240x128xf32, #tpu.memory_space<vmem_shared>> -> memref<640x128xf32, #tpu.memory_space<vmem_shared>>
      tpu.wait_dma2 semaphore(%run_scoped3A : memref<!tpu.dma_semaphore, #tpu.memory_space<semaphore_mem>>) src(%arg6 : memref<640x128xf32, #tpu.memory_space<hbm>>) dst(%dma_wait3A_14 : memref<640x128xf32, #tpu.memory_space<vmem_shared>>)
      tpu.yield
    }) : () -> ()
    %barrier3A = arith.constant 0 : index
    tpu.barrier barrier_id(%barrier3A)
    %eq3A = arith.constant 0 : i32
    %eq3A_1 = arith.cmpi eq, %arg0, %eq3A : i32
    %convert_element_type3A = arith.extui %eq3A_1 : i1 to i32
    %cond3A = arith.constant 0 : i32
    %cond3A_2 = arith.cmpi ne, %convert_element_type3A, %cond3A : i32
    scf.if %cond3A_2 {
      %dma_start3A = arith.constant 0 : i32
      %dma_start3A_13 = arith.constant 0 : i32
      %dma_start3A_14 = tpu.memref_slice %arg2[%arg1, %dma_start3A, %dma_start3A_13] : memref<16x160x128xi32, #tpu.memory_space<hbm>> -> memref<1x1x128xi32, #tpu.memory_space<hbm>>
      %dma_start3A_15 = tpu.memref_squeeze %dma_start3A_14 : memref<1x1x128xi32, #tpu.memory_space<hbm>> -> memref<128xi32, #tpu.memory_space<hbm>>
      %dma_start3A_16 = arith.constant 0 : i32
      %dma_start3A_17 = tpu.memref_slice %arg2[%arg1, %dma_start3A, %dma_start3A_16] : memref<16x160x128xi32, #tpu.memory_space<hbm>> -> memref<1x1x128xi32, #tpu.memory_space<hbm>>
      %dma_start3A_18 = tpu.memref_squeeze %dma_start3A_17 : memref<1x1x128xi32, #tpu.memory_space<hbm>> -> memref<128xi32, #tpu.memory_space<hbm>>
      tpu.enqueue_dma source(%dma_start3A_18 : memref<128xi32, #tpu.memory_space<hbm>>) target(%arg8 : memref<128xi32, #tpu.memory_space<vmem>>) target_semaphore(%arg15 : memref<!tpu.dma_semaphore, #tpu.memory_space<semaphore_mem>>)
      %dma_start3A_19 = arith.constant 0 : i32
      %dma_start3A_20 = arith.constant 0 : i32
      %dma_start3A_21 = tpu.memref_slice %arg3[%arg1, %dma_start3A_19, %dma_start3A_20] : memref<16x160x128xi32, #tpu.memory_space<hbm>> -> memref<1x1x128xi32, #tpu.memory_space<hbm>>
      %dma_start3A_22 = tpu.memref_squeeze %dma_start3A_21 : memref<1x1x128xi32, #tpu.memory_space<hbm>> -> memref<128xi32, #tpu.memory_space<hbm>>
      %dma_start3A_23 = arith.constant 0 : i32
      %dma_start3A_24 = tpu.memref_slice %arg3[%arg1, %dma_start3A_19, %dma_start3A_23] : memref<16x160x128xi32, #tpu.memory_space<hbm>> -> memref<1x1x128xi32, #tpu.memory_space<hbm>>
      %dma_start3A_25 = tpu.memref_squeeze %dma_start3A_24 : memref<1x1x128xi32, #tpu.memory_space<hbm>> -> memref<128xi32, #tpu.memory_space<hbm>>
      tpu.enqueue_dma source(%dma_start3A_25 : memref<128xi32, #tpu.memory_space<hbm>>) target(%arg9 : memref<128xi32, #tpu.memory_space<vmem>>) target_semaphore(%arg15 : memref<!tpu.dma_semaphore, #tpu.memory_space<semaphore_mem>>)
      %dma_start3A_26 = arith.constant 1 : i32
      %dma_start3A_27 = arith.constant 0 : i32
      %dma_start3A_28 = tpu.memref_slice %arg2[%arg1, %dma_start3A_26, %dma_start3A_27] : memref<16x160x128xi32, #tpu.memory_space<hbm>> -> memref<1x1x128xi32, #tpu.memory_space<hbm>>
      %dma_start3A_29 = tpu.memref_squeeze %dma_start3A_28 : memref<1x1x128xi32, #tpu.memory_space<hbm>> -> memref<128xi32, #tpu.memory_space<hbm>>
      %dma_start3A_30 = arith.constant 0 : i32
      %dma_start3A_31 = tpu.memref_slice %arg2[%arg1, %dma_start3A_26, %dma_start3A_30] : memref<16x160x128xi32, #tpu.memory_space<hbm>> -> memref<1x1x128xi32, #tpu.memory_space<hbm>>
      %dma_start3A_32 = tpu.memref_squeeze %dma_start3A_31 : memref<1x1x128xi32, #tpu.memory_space<hbm>> -> memref<128xi32, #tpu.memory_space<hbm>>
      tpu.enqueue_dma source(%dma_start3A_32 : memref<128xi32, #tpu.memory_space<hbm>>) target(%arg10 : memref<128xi32, #tpu.memory_space<vmem>>) target_semaphore(%arg16 : memref<!tpu.dma_semaphore, #tpu.memory_space<semaphore_mem>>)
      %dma_start3A_33 = arith.constant 1 : i32
      %dma_start3A_34 = arith.constant 0 : i32
      %dma_start3A_35 = tpu.memref_slice %arg3[%arg1, %dma_start3A_33, %dma_start3A_34] : memref<16x160x128xi32, #tpu.memory_space<hbm>> -> memref<1x1x128xi32, #tpu.memory_space<hbm>>
      %dma_start3A_36 = tpu.memref_squeeze %dma_start3A_35 : memref<1x1x128xi32, #tpu.memory_space<hbm>> -> memref<128xi32, #tpu.memory_space<hbm>>
      %dma_start3A_37 = arith.constant 0 : i32
      %dma_start3A_38 = tpu.memref_slice %arg3[%arg1, %dma_start3A_33, %dma_start3A_37] : memref<16x160x128xi32, #tpu.memory_space<hbm>> -> memref<1x1x128xi32, #tpu.memory_space<hbm>>
      %dma_start3A_39 = tpu.memref_squeeze %dma_start3A_38 : memref<1x1x128xi32, #tpu.memory_space<hbm>> -> memref<128xi32, #tpu.memory_space<hbm>>
      tpu.enqueue_dma source(%dma_start3A_39 : memref<128xi32, #tpu.memory_space<hbm>>) target(%arg11 : memref<128xi32, #tpu.memory_space<vmem>>) target_semaphore(%arg16 : memref<!tpu.dma_semaphore, #tpu.memory_space<semaphore_mem>>)
      %scan3A = arith.constant 0 : i32
      %scan3A_40 = arith.constant 0 : i32
      %scan3A_41 = arith.constant 80 : i32
      %scan3A_42 = arith.addi %scan3A_40, %scan3A_41 : i32
      %scan3A_43 = arith.constant 1 : i32
      scf.for %scan3A_45 = %scan3A_40 to %scan3A_42 step %scan3A_43  : i32 {
        %mul3A_46 = arith.constant 2 : i32
        %mul3A_47 = arith.muli %mul3A_46, %scan3A_45 : i32
        %dma_wait3A = arith.constant 0 : i32
        %dma_wait3A_48 = tpu.memref_slice %arg2[%arg1, %mul3A_47, %dma_wait3A] : memref<16x160x128xi32, #tpu.memory_space<hbm>> -> memref<1x1x128xi32, #tpu.memory_space<hbm>>
        %dma_wait3A_49 = tpu.memref_squeeze %dma_wait3A_48 : memref<1x1x128xi32, #tpu.memory_space<hbm>> -> memref<128xi32, #tpu.memory_space<hbm>>
        %dma_wait3A_50 = arith.constant 0 : i32
        %dma_wait3A_51 = tpu.memref_slice %arg2[%arg1, %mul3A_47, %dma_wait3A_50] : memref<16x160x128xi32, #tpu.memory_space<hbm>> -> memref<1x1x128xi32, #tpu.memory_space<hbm>>
        %dma_wait3A_52 = tpu.memref_squeeze %dma_wait3A_51 : memref<1x1x128xi32, #tpu.memory_space<hbm>> -> memref<128xi32, #tpu.memory_space<hbm>>
        tpu.wait_dma2 semaphore(%arg15 : memref<!tpu.dma_semaphore, #tpu.memory_space<semaphore_mem>>) src(%dma_wait3A_52 : memref<128xi32, #tpu.memory_space<hbm>>) dst(%arg8 : memref<128xi32, #tpu.memory_space<vmem>>)
        %dma_wait3A_53 = arith.constant 0 : i32
        %dma_wait3A_54 = tpu.memref_slice %arg3[%arg1, %mul3A_47, %dma_wait3A_53] : memref<16x160x128xi32, #tpu.memory_space<hbm>> -> memref<1x1x128xi32, #tpu.memory_space<hbm>>
        %dma_wait3A_55 = tpu.memref_squeeze %dma_wait3A_54 : memref<1x1x128xi32, #tpu.memory_space<hbm>> -> memref<128xi32, #tpu.memory_space<hbm>>
        %dma_wait3A_56 = arith.constant 0 : i32
        %dma_wait3A_57 = tpu.memref_slice %arg3[%arg1, %mul3A_47, %dma_wait3A_56] : memref<16x160x128xi32, #tpu.memory_space<hbm>> -> memref<1x1x128xi32, #tpu.memory_space<hbm>>
        %dma_wait3A_58 = tpu.memref_squeeze %dma_wait3A_57 : memref<1x1x128xi32, #tpu.memory_space<hbm>> -> memref<128xi32, #tpu.memory_space<hbm>>
        tpu.wait_dma2 semaphore(%arg15 : memref<!tpu.dma_semaphore, #tpu.memory_space<semaphore_mem>>) src(%dma_wait3A_58 : memref<128xi32, #tpu.memory_space<hbm>>) dst(%arg9 : memref<128xi32, #tpu.memory_space<vmem>>)
        %dma_start3A_59 = arith.constant 0 : i32
        %dma_start3A_60 = arith.constant 0 : i32
        %dma_start3A_61 = tpu.memref_slice %arg4[%dma_start3A_59, %dma_start3A_60] : memref<10000x128xf32, #tpu.memory_space<hbm>> -> memref<10000x128xf32, #tpu.memory_space<hbm>>
        tpu.enqueue_indirect_dma source(%dma_start3A_61 : memref<10000x128xf32, #tpu.memory_space<hbm>>) target(%arg12 : memref<128x128xf32, #tpu.memory_space<vmem>>) offsets(%arg8 : memref<128xi32, #tpu.memory_space<vmem>>) semaphore(%arg17 : memref<!tpu.dma_semaphore, #tpu.memory_space<semaphore_mem>>)
        %dma_wait3A_62 = arith.constant 0 : i32
        %dma_wait3A_63 = tpu.memref_slice %arg2[%arg1, %mul3A_47, %dma_wait3A_62] : memref<16x160x128xi32, #tpu.memory_space<hbm>> -> memref<1x1x128xi32, #tpu.memory_space<hbm>>
        %dma_wait3A_64 = tpu.memref_squeeze %dma_wait3A_63 : memref<1x1x128xi32, #tpu.memory_space<hbm>> -> memref<128xi32, #tpu.memory_space<hbm>>
        %dma_wait3A_65 = arith.constant 0 : i32
        %dma_wait3A_66 = tpu.memref_slice %arg2[%arg1, %mul3A_47, %dma_wait3A_65] : memref<16x160x128xi32, #tpu.memory_space<hbm>> -> memref<1x1x128xi32, #tpu.memory_space<hbm>>
        %dma_wait3A_67 = tpu.memref_squeeze %dma_wait3A_66 : memref<1x1x128xi32, #tpu.memory_space<hbm>> -> memref<128xi32, #tpu.memory_space<hbm>>
        tpu.wait_dma2 semaphore(%arg16 : memref<!tpu.dma_semaphore, #tpu.memory_space<semaphore_mem>>) src(%dma_wait3A_67 : memref<128xi32, #tpu.memory_space<hbm>>) dst(%arg10 : memref<128xi32, #tpu.memory_space<vmem>>)
        %dma_wait3A_68 = arith.constant 0 : i32
        %dma_wait3A_69 = tpu.memref_slice %arg3[%arg1, %mul3A_47, %dma_wait3A_68] : memref<16x160x128xi32, #tpu.memory_space<hbm>> -> memref<1x1x128xi32, #tpu.memory_space<hbm>>
        %dma_wait3A_70 = tpu.memref_squeeze %dma_wait3A_69 : memref<1x1x128xi32, #tpu.memory_space<hbm>> -> memref<128xi32, #tpu.memory_space<hbm>>
        %dma_wait3A_71 = arith.constant 0 : i32
        %dma_wait3A_72 = tpu.memref_slice %arg3[%arg1, %mul3A_47, %dma_wait3A_71] : memref<16x160x128xi32, #tpu.memory_space<hbm>> -> memref<1x1x128xi32, #tpu.memory_space<hbm>>
        %dma_wait3A_73 = tpu.memref_squeeze %dma_wait3A_72 : memref<1x1x128xi32, #tpu.memory_space<hbm>> -> memref<128xi32, #tpu.memory_space<hbm>>
        tpu.wait_dma2 semaphore(%arg16 : memref<!tpu.dma_semaphore, #tpu.memory_space<semaphore_mem>>) src(%dma_wait3A_73 : memref<128xi32, #tpu.memory_space<hbm>>) dst(%arg11 : memref<128xi32, #tpu.memory_space<vmem>>)
        %dma_start3A_74 = arith.constant 0 : i32
        %dma_start3A_75 = arith.constant 0 : i32
        %dma_start3A_76 = tpu.memref_slice %arg4[%dma_start3A_74, %dma_start3A_75] : memref<10000x128xf32, #tpu.memory_space<hbm>> -> memref<10000x128xf32, #tpu.memory_space<hbm>>
        tpu.enqueue_indirect_dma source(%dma_start3A_76 : memref<10000x128xf32, #tpu.memory_space<hbm>>) target(%arg13 : memref<128x128xf32, #tpu.memory_space<vmem>>) offsets(%arg10 : memref<128xi32, #tpu.memory_space<vmem>>) semaphore(%arg18 : memref<!tpu.dma_semaphore, #tpu.memory_space<semaphore_mem>>)
        %dma_wait3A_77 = arith.constant 0 : i32
        %dma_wait3A_78 = arith.constant 0 : i32
        %dma_wait3A_79 = tpu.memref_slice %arg4[%dma_wait3A_77, %dma_wait3A_78] : memref<10000x128xf32, #tpu.memory_space<hbm>> -> memref<10000x128xf32, #tpu.memory_space<hbm>>
        tpu.wait_indirect_dma semaphore(%arg17 : memref<!tpu.dma_semaphore, #tpu.memory_space<semaphore_mem>>) src(%dma_wait3A_79 : memref<10000x128xf32, #tpu.memory_space<hbm>>) dst(%arg12 : memref<128x128xf32, #tpu.memory_space<vmem>>)
        "tpu.region"() ({
          %run_scoped3A = tpu.sem_alloc : memref<!tpu.dma_semaphore, #tpu.memory_space<semaphore_mem>>
          %dma_start3A_95 = arith.constant 0 : i32
          %dma_start3A_96 = arith.constant 0 : i32
          %dma_start3A_97 = tpu.memref_slice %arg14[%dma_start3A_95, %dma_start3A_96] : memref<10240x128xf32, #tpu.memory_space<vmem_shared>> -> memref<10240x128xf32, #tpu.memory_space<vmem_shared>>
          tpu.enqueue_indirect_dma source(%arg12 : memref<128x128xf32, #tpu.memory_space<vmem>>) target(%dma_start3A_97 : memref<10240x128xf32, #tpu.memory_space<vmem_shared>>) offsets(%arg9 : memref<128xi32, #tpu.memory_space<vmem>>) semaphore(%run_scoped3A : memref<!tpu.dma_semaphore, #tpu.memory_space<semaphore_mem>>) {add = true}
          %dma_wait3A_98 = arith.constant 0 : i32
          %dma_wait3A_99 = arith.constant 0 : i32
          %dma_wait3A_100 = tpu.memref_slice %arg14[%dma_wait3A_98, %dma_wait3A_99] : memref<10240x128xf32, #tpu.memory_space<vmem_shared>> -> memref<10240x128xf32, #tpu.memory_space<vmem_shared>>
          tpu.wait_indirect_dma semaphore(%run_scoped3A : memref<!tpu.dma_semaphore, #tpu.memory_space<semaphore_mem>>) src(%arg12 : memref<128x128xf32, #tpu.memory_space<vmem>>) dst(%dma_wait3A_100 : memref<10240x128xf32, #tpu.memory_space<vmem_shared>>)
          tpu.yield
        }) : () -> ()
        %add3A = arith.constant 1 : i32
        %add3A_80 = arith.addi %scan3A_45, %add3A : i32
        %lt3A = arith.constant 80 : i32
        %lt3A_81 = arith.cmpi slt, %add3A_80, %lt3A : i32
        %convert_element_type3A_82 = arith.extui %lt3A_81 : i1 to i32
        %cond3A_83 = arith.constant 0 : i32
        %cond3A_84 = arith.cmpi ne, %convert_element_type3A_82, %cond3A_83 : i32
        scf.if %cond3A_84 {
          %add3A_95 = arith.constant 2 : i32
          %add3A_96 = arith.addi %mul3A_47, %add3A_95 : i32
          %dma_start3A_97 = arith.constant 0 : i32
          %dma_start3A_98 = tpu.memref_slice %arg2[%arg1, %add3A_96, %dma_start3A_97] : memref<16x160x128xi32, #tpu.memory_space<hbm>> -> memref<1x1x128xi32, #tpu.memory_space<hbm>>
          %dma_start3A_99 = tpu.memref_squeeze %dma_start3A_98 : memref<1x1x128xi32, #tpu.memory_space<hbm>> -> memref<128xi32, #tpu.memory_space<hbm>>
          %dma_start3A_100 = arith.constant 0 : i32
          %dma_start3A_101 = tpu.memref_slice %arg2[%arg1, %add3A_96, %dma_start3A_100] : memref<16x160x128xi32, #tpu.memory_space<hbm>> -> memref<1x1x128xi32, #tpu.memory_space<hbm>>
          %dma_start3A_102 = tpu.memref_squeeze %dma_start3A_101 : memref<1x1x128xi32, #tpu.memory_space<hbm>> -> memref<128xi32, #tpu.memory_space<hbm>>
          tpu.enqueue_dma source(%dma_start3A_102 : memref<128xi32, #tpu.memory_space<hbm>>) target(%arg8 : memref<128xi32, #tpu.memory_space<vmem>>) target_semaphore(%arg15 : memref<!tpu.dma_semaphore, #tpu.memory_space<semaphore_mem>>)
          %add3A_103 = arith.constant 2 : i32
          %add3A_104 = arith.addi %mul3A_47, %add3A_103 : i32
          %dma_start3A_105 = arith.constant 0 : i32
          %dma_start3A_106 = tpu.memref_slice %arg3[%arg1, %add3A_104, %dma_start3A_105] : memref<16x160x128xi32, #tpu.memory_space<hbm>> -> memref<1x1x128xi32, #tpu.memory_space<hbm>>
          %dma_start3A_107 = tpu.memref_squeeze %dma_start3A_106 : memref<1x1x128xi32, #tpu.memory_space<hbm>> -> memref<128xi32, #tpu.memory_space<hbm>>
          %dma_start3A_108 = arith.constant 0 : i32
          %dma_start3A_109 = tpu.memref_slice %arg3[%arg1, %add3A_104, %dma_start3A_108] : memref<16x160x128xi32, #tpu.memory_space<hbm>> -> memref<1x1x128xi32, #tpu.memory_space<hbm>>
          %dma_start3A_110 = tpu.memref_squeeze %dma_start3A_109 : memref<1x1x128xi32, #tpu.memory_space<hbm>> -> memref<128xi32, #tpu.memory_space<hbm>>
          tpu.enqueue_dma source(%dma_start3A_110 : memref<128xi32, #tpu.memory_space<hbm>>) target(%arg9 : memref<128xi32, #tpu.memory_space<vmem>>) target_semaphore(%arg15 : memref<!tpu.dma_semaphore, #tpu.memory_space<semaphore_mem>>)
        } else {
        }
        %dma_wait3A_85 = arith.constant 0 : i32
        %dma_wait3A_86 = arith.constant 0 : i32
        %dma_wait3A_87 = tpu.memref_slice %arg4[%dma_wait3A_85, %dma_wait3A_86] : memref<10000x128xf32, #tpu.memory_space<hbm>> -> memref<10000x128xf32, #tpu.memory_space<hbm>>
        tpu.wait_indirect_dma semaphore(%arg18 : memref<!tpu.dma_semaphore, #tpu.memory_space<semaphore_mem>>) src(%dma_wait3A_87 : memref<10000x128xf32, #tpu.memory_space<hbm>>) dst(%arg13 : memref<128x128xf32, #tpu.memory_space<vmem>>)
        "tpu.region"() ({
          %run_scoped3A = tpu.sem_alloc : memref<!tpu.dma_semaphore, #tpu.memory_space<semaphore_mem>>
          %dma_start3A_95 = arith.constant 0 : i32
          %dma_start3A_96 = arith.constant 0 : i32
          %dma_start3A_97 = tpu.memref_slice %arg14[%dma_start3A_95, %dma_start3A_96] : memref<10240x128xf32, #tpu.memory_space<vmem_shared>> -> memref<10240x128xf32, #tpu.memory_space<vmem_shared>>
          tpu.enqueue_indirect_dma source(%arg13 : memref<128x128xf32, #tpu.memory_space<vmem>>) target(%dma_start3A_97 : memref<10240x128xf32, #tpu.memory_space<vmem_shared>>) offsets(%arg11 : memref<128xi32, #tpu.memory_space<vmem>>) semaphore(%run_scoped3A : memref<!tpu.dma_semaphore, #tpu.memory_space<semaphore_mem>>) {add = true}
          %dma_wait3A_98 = arith.constant 0 : i32
          %dma_wait3A_99 = arith.constant 0 : i32
          %dma_wait3A_100 = tpu.memref_slice %arg14[%dma_wait3A_98, %dma_wait3A_99] : memref<10240x128xf32, #tpu.memory_space<vmem_shared>> -> memref<10240x128xf32, #tpu.memory_space<vmem_shared>>
          tpu.wait_indirect_dma semaphore(%run_scoped3A : memref<!tpu.dma_semaphore, #tpu.memory_space<semaphore_mem>>) src(%arg13 : memref<128x128xf32, #tpu.memory_space<vmem>>) dst(%dma_wait3A_100 : memref<10240x128xf32, #tpu.memory_space<vmem_shared>>)
          tpu.yield
        }) : () -> ()
        %add3A_88 = arith.constant 1 : i32
        %add3A_89 = arith.addi %scan3A_45, %add3A_88 : i32
        %lt3A_90 = arith.constant 80 : i32
        %lt3A_91 = arith.cmpi slt, %add3A_89, %lt3A_90 : i32
        %convert_element_type3A_92 = arith.extui %lt3A_91 : i1 to i32
        %cond3A_93 = arith.constant 0 : i32
        %cond3A_94 = arith.cmpi ne, %convert_element_type3A_92, %cond3A_93 : i32
        scf.if %cond3A_94 {
          %add3A_95 = arith.constant 3 : i32
          %add3A_96 = arith.addi %mul3A_47, %add3A_95 : i32
          %dma_start3A_97 = arith.constant 0 : i32
          %dma_start3A_98 = tpu.memref_slice %arg2[%arg1, %add3A_96, %dma_start3A_97] : memref<16x160x128xi32, #tpu.memory_space<hbm>> -> memref<1x1x128xi32, #tpu.memory_space<hbm>>
          %dma_start3A_99 = tpu.memref_squeeze %dma_start3A_98 : memref<1x1x128xi32, #tpu.memory_space<hbm>> -> memref<128xi32, #tpu.memory_space<hbm>>
          %dma_start3A_100 = arith.constant 0 : i32
          %dma_start3A_101 = tpu.memref_slice %arg2[%arg1, %add3A_96, %dma_start3A_100] : memref<16x160x128xi32, #tpu.memory_space<hbm>> -> memref<1x1x128xi32, #tpu.memory_space<hbm>>
          %dma_start3A_102 = tpu.memref_squeeze %dma_start3A_101 : memref<1x1x128xi32, #tpu.memory_space<hbm>> -> memref<128xi32, #tpu.memory_space<hbm>>
          tpu.enqueue_dma source(%dma_start3A_102 : memref<128xi32, #tpu.memory_space<hbm>>) target(%arg10 : memref<128xi32, #tpu.memory_space<vmem>>) target_semaphore(%arg16 : memref<!tpu.dma_semaphore, #tpu.memory_space<semaphore_mem>>)
          %add3A_103 = arith.constant 3 : i32
          %add3A_104 = arith.addi %mul3A_47, %add3A_103 : i32
          %dma_start3A_105 = arith.constant 0 : i32
          %dma_start3A_106 = tpu.memref_slice %arg3[%arg1, %add3A_104, %dma_start3A_105] : memref<16x160x128xi32, #tpu.memory_space<hbm>> -> memref<1x1x128xi32, #tpu.memory_space<hbm>>
          %dma_start3A_107 = tpu.memref_squeeze %dma_start3A_106 : memref<1x1x128xi32, #tpu.memory_space<hbm>> -> memref<128xi32, #tpu.memory_space<hbm>>
          %dma_start3A_108 = arith.constant 0 : i32
          %dma_start3A_109 = tpu.memref_slice %arg3[%arg1, %add3A_104, %dma_start3A_108] : memref<16x160x128xi32, #tpu.memory_space<hbm>> -> memref<1x1x128xi32, #tpu.memory_space<hbm>>
          %dma_start3A_110 = tpu.memref_squeeze %dma_start3A_109 : memref<1x1x128xi32, #tpu.memory_space<hbm>> -> memref<128xi32, #tpu.memory_space<hbm>>
          tpu.enqueue_dma source(%dma_start3A_110 : memref<128xi32, #tpu.memory_space<hbm>>) target(%arg11 : memref<128xi32, #tpu.memory_space<vmem>>) target_semaphore(%arg16 : memref<!tpu.dma_semaphore, #tpu.memory_space<semaphore_mem>>)
        } else {
        }
      }
      %scan3A_44 = arith.constant 80 : i32
    } else {
    }
    %eq3A_3 = arith.constant 1 : i32
    %eq3A_4 = arith.cmpi eq, %arg0, %eq3A_3 : i32
    %convert_element_type3A_5 = arith.extui %eq3A_4 : i1 to i32
    %cond3A_6 = arith.constant 0 : i32
    %cond3A_7 = arith.cmpi ne, %convert_element_type3A_5, %cond3A_6 : i32
    scf.if %cond3A_7 {
      %dma_start3A = arith.constant 0 : i32
      %dma_start3A_13 = arith.constant 0 : i32
      %dma_start3A_14 = tpu.memref_slice %arg2[%arg1, %dma_start3A, %dma_start3A_13] : memref<16x160x128xi32, #tpu.memory_space<hbm>> -> memref<1x1x128xi32, #tpu.memory_space<hbm>>
      %dma_start3A_15 = tpu.memref_squeeze %dma_start3A_14 : memref<1x1x128xi32, #tpu.memory_space<hbm>> -> memref<128xi32, #tpu.memory_space<hbm>>
      %dma_start3A_16 = arith.constant 0 : i32
      %dma_start3A_17 = tpu.memref_slice %arg2[%arg1, %dma_start3A, %dma_start3A_16] : memref<16x160x128xi32, #tpu.memory_space<hbm>> -> memref<1x1x128xi32, #tpu.memory_space<hbm>>
      %dma_start3A_18 = tpu.memref_squeeze %dma_start3A_17 : memref<1x1x128xi32, #tpu.memory_space<hbm>> -> memref<128xi32, #tpu.memory_space<hbm>>
      tpu.enqueue_dma source(%dma_start3A_18 : memref<128xi32, #tpu.memory_space<hbm>>) target(%arg8 : memref<128xi32, #tpu.memory_space<vmem>>) target_semaphore(%arg15 : memref<!tpu.dma_semaphore, #tpu.memory_space<semaphore_mem>>)
      %dma_start3A_19 = arith.constant 0 : i32
      %dma_start3A_20 = arith.constant 0 : i32
      %dma_start3A_21 = tpu.memref_slice %arg3[%arg1, %dma_start3A_19, %dma_start3A_20] : memref<16x160x128xi32, #tpu.memory_space<hbm>> -> memref<1x1x128xi32, #tpu.memory_space<hbm>>
      %dma_start3A_22 = tpu.memref_squeeze %dma_start3A_21 : memref<1x1x128xi32, #tpu.memory_space<hbm>> -> memref<128xi32, #tpu.memory_space<hbm>>
      %dma_start3A_23 = arith.constant 0 : i32
      %dma_start3A_24 = tpu.memref_slice %arg3[%arg1, %dma_start3A_19, %dma_start3A_23] : memref<16x160x128xi32, #tpu.memory_space<hbm>> -> memref<1x1x128xi32, #tpu.memory_space<hbm>>
      %dma_start3A_25 = tpu.memref_squeeze %dma_start3A_24 : memref<1x1x128xi32, #tpu.memory_space<hbm>> -> memref<128xi32, #tpu.memory_space<hbm>>
      tpu.enqueue_dma source(%dma_start3A_25 : memref<128xi32, #tpu.memory_space<hbm>>) target(%arg9 : memref<128xi32, #tpu.memory_space<vmem>>) target_semaphore(%arg15 : memref<!tpu.dma_semaphore, #tpu.memory_space<semaphore_mem>>)
      %dma_start3A_26 = arith.constant 1 : i32
      %dma_start3A_27 = arith.constant 0 : i32
      %dma_start3A_28 = tpu.memref_slice %arg2[%arg1, %dma_start3A_26, %dma_start3A_27] : memref<16x160x128xi32, #tpu.memory_space<hbm>> -> memref<1x1x128xi32, #tpu.memory_space<hbm>>
      %dma_start3A_29 = tpu.memref_squeeze %dma_start3A_28 : memref<1x1x128xi32, #tpu.memory_space<hbm>> -> memref<128xi32, #tpu.memory_space<hbm>>
      %dma_start3A_30 = arith.constant 0 : i32
      %dma_start3A_31 = tpu.memref_slice %arg2[%arg1, %dma_start3A_26, %dma_start3A_30] : memref<16x160x128xi32, #tpu.memory_space<hbm>> -> memref<1x1x128xi32, #tpu.memory_space<hbm>>
      %dma_start3A_32 = tpu.memref_squeeze %dma_start3A_31 : memref<1x1x128xi32, #tpu.memory_space<hbm>> -> memref<128xi32, #tpu.memory_space<hbm>>
      tpu.enqueue_dma source(%dma_start3A_32 : memref<128xi32, #tpu.memory_space<hbm>>) target(%arg10 : memref<128xi32, #tpu.memory_space<vmem>>) target_semaphore(%arg16 : memref<!tpu.dma_semaphore, #tpu.memory_space<semaphore_mem>>)
      %dma_start3A_33 = arith.constant 1 : i32
      %dma_start3A_34 = arith.constant 0 : i32
      %dma_start3A_35 = tpu.memref_slice %arg3[%arg1, %dma_start3A_33, %dma_start3A_34] : memref<16x160x128xi32, #tpu.memory_space<hbm>> -> memref<1x1x128xi32, #tpu.memory_space<hbm>>
      %dma_start3A_36 = tpu.memref_squeeze %dma_start3A_35 : memref<1x1x128xi32, #tpu.memory_space<hbm>> -> memref<128xi32, #tpu.memory_space<hbm>>
      %dma_start3A_37 = arith.constant 0 : i32
      %dma_start3A_38 = tpu.memref_slice %arg3[%arg1, %dma_start3A_33, %dma_start3A_37] : memref<16x160x128xi32, #tpu.memory_space<hbm>> -> memref<1x1x128xi32, #tpu.memory_space<hbm>>
      %dma_start3A_39 = tpu.memref_squeeze %dma_start3A_38 : memref<1x1x128xi32, #tpu.memory_space<hbm>> -> memref<128xi32, #tpu.memory_space<hbm>>
      tpu.enqueue_dma source(%dma_start3A_39 : memref<128xi32, #tpu.memory_space<hbm>>) target(%arg11 : memref<128xi32, #tpu.memory_space<vmem>>) target_semaphore(%arg16 : memref<!tpu.dma_semaphore, #tpu.memory_space<semaphore_mem>>)
      %scan3A = arith.constant 0 : i32
      %scan3A_40 = arith.constant 0 : i32
      %scan3A_41 = arith.constant 80 : i32
      %scan3A_42 = arith.addi %scan3A_40, %scan3A_41 : i32
      %scan3A_43 = arith.constant 1 : i32
      scf.for %scan3A_45 = %scan3A_40 to %scan3A_42 step %scan3A_43  : i32 {
        %mul3A_46 = arith.constant 2 : i32
        %mul3A_47 = arith.muli %mul3A_46, %scan3A_45 : i32
        %dma_wait3A = arith.constant 0 : i32
        %dma_wait3A_48 = tpu.memref_slice %arg2[%arg1, %mul3A_47, %dma_wait3A] : memref<16x160x128xi32, #tpu.memory_space<hbm>> -> memref<1x1x128xi32, #tpu.memory_space<hbm>>
        %dma_wait3A_49 = tpu.memref_squeeze %dma_wait3A_48 : memref<1x1x128xi32, #tpu.memory_space<hbm>> -> memref<128xi32, #tpu.memory_space<hbm>>
        %dma_wait3A_50 = arith.constant 0 : i32
        %dma_wait3A_51 = tpu.memref_slice %arg2[%arg1, %mul3A_47, %dma_wait3A_50] : memref<16x160x128xi32, #tpu.memory_space<hbm>> -> memref<1x1x128xi32, #tpu.memory_space<hbm>>
        %dma_wait3A_52 = tpu.memref_squeeze %dma_wait3A_51 : memref<1x1x128xi32, #tpu.memory_space<hbm>> -> memref<128xi32, #tpu.memory_space<hbm>>
        tpu.wait_dma2 semaphore(%arg15 : memref<!tpu.dma_semaphore, #tpu.memory_space<semaphore_mem>>) src(%dma_wait3A_52 : memref<128xi32, #tpu.memory_space<hbm>>) dst(%arg8 : memref<128xi32, #tpu.memory_space<vmem>>)
        %dma_wait3A_53 = arith.constant 0 : i32
        %dma_wait3A_54 = tpu.memref_slice %arg3[%arg1, %mul3A_47, %dma_wait3A_53] : memref<16x160x128xi32, #tpu.memory_space<hbm>> -> memref<1x1x128xi32, #tpu.memory_space<hbm>>
        %dma_wait3A_55 = tpu.memref_squeeze %dma_wait3A_54 : memref<1x1x128xi32, #tpu.memory_space<hbm>> -> memref<128xi32, #tpu.memory_space<hbm>>
        %dma_wait3A_56 = arith.constant 0 : i32
        %dma_wait3A_57 = tpu.memref_slice %arg3[%arg1, %mul3A_47, %dma_wait3A_56] : memref<16x160x128xi32, #tpu.memory_space<hbm>> -> memref<1x1x128xi32, #tpu.memory_space<hbm>>
        %dma_wait3A_58 = tpu.memref_squeeze %dma_wait3A_57 : memref<1x1x128xi32, #tpu.memory_space<hbm>> -> memref<128xi32, #tpu.memory_space<hbm>>
        tpu.wait_dma2 semaphore(%arg15 : memref<!tpu.dma_semaphore, #tpu.memory_space<semaphore_mem>>) src(%dma_wait3A_58 : memref<128xi32, #tpu.memory_space<hbm>>) dst(%arg9 : memref<128xi32, #tpu.memory_space<vmem>>)
        %dma_start3A_59 = arith.constant 0 : i32
        %dma_start3A_60 = arith.constant 0 : i32
        %dma_start3A_61 = tpu.memref_slice %arg5[%dma_start3A_59, %dma_start3A_60] : memref<10000x128xf32, #tpu.memory_space<hbm>> -> memref<10000x128xf32, #tpu.memory_space<hbm>>
        tpu.enqueue_indirect_dma source(%dma_start3A_61 : memref<10000x128xf32, #tpu.memory_space<hbm>>) target(%arg12 : memref<128x128xf32, #tpu.memory_space<vmem>>) offsets(%arg8 : memref<128xi32, #tpu.memory_space<vmem>>) semaphore(%arg17 : memref<!tpu.dma_semaphore, #tpu.memory_space<semaphore_mem>>)
        %dma_wait3A_62 = arith.constant 0 : i32
        %dma_wait3A_63 = tpu.memref_slice %arg2[%arg1, %mul3A_47, %dma_wait3A_62] : memref<16x160x128xi32, #tpu.memory_space<hbm>> -> memref<1x1x128xi32, #tpu.memory_space<hbm>>
        %dma_wait3A_64 = tpu.memref_squeeze %dma_wait3A_63 : memref<1x1x128xi32, #tpu.memory_space<hbm>> -> memref<128xi32, #tpu.memory_space<hbm>>
        %dma_wait3A_65 = arith.constant 0 : i32
        %dma_wait3A_66 = tpu.memref_slice %arg2[%arg1, %mul3A_47, %dma_wait3A_65] : memref<16x160x128xi32, #tpu.memory_space<hbm>> -> memref<1x1x128xi32, #tpu.memory_space<hbm>>
        %dma_wait3A_67 = tpu.memref_squeeze %dma_wait3A_66 : memref<1x1x128xi32, #tpu.memory_space<hbm>> -> memref<128xi32, #tpu.memory_space<hbm>>
        tpu.wait_dma2 semaphore(%arg16 : memref<!tpu.dma_semaphore, #tpu.memory_space<semaphore_mem>>) src(%dma_wait3A_67 : memref<128xi32, #tpu.memory_space<hbm>>) dst(%arg10 : memref<128xi32, #tpu.memory_space<vmem>>)
        %dma_wait3A_68 = arith.constant 0 : i32
        %dma_wait3A_69 = tpu.memref_slice %arg3[%arg1, %mul3A_47, %dma_wait3A_68] : memref<16x160x128xi32, #tpu.memory_space<hbm>> -> memref<1x1x128xi32, #tpu.memory_space<hbm>>
        %dma_wait3A_70 = tpu.memref_squeeze %dma_wait3A_69 : memref<1x1x128xi32, #tpu.memory_space<hbm>> -> memref<128xi32, #tpu.memory_space<hbm>>
        %dma_wait3A_71 = arith.constant 0 : i32
        %dma_wait3A_72 = tpu.memref_slice %arg3[%arg1, %mul3A_47, %dma_wait3A_71] : memref<16x160x128xi32, #tpu.memory_space<hbm>> -> memref<1x1x128xi32, #tpu.memory_space<hbm>>
        %dma_wait3A_73 = tpu.memref_squeeze %dma_wait3A_72 : memref<1x1x128xi32, #tpu.memory_space<hbm>> -> memref<128xi32, #tpu.memory_space<hbm>>
        tpu.wait_dma2 semaphore(%arg16 : memref<!tpu.dma_semaphore, #tpu.memory_space<semaphore_mem>>) src(%dma_wait3A_73 : memref<128xi32, #tpu.memory_space<hbm>>) dst(%arg11 : memref<128xi32, #tpu.memory_space<vmem>>)
        %dma_start3A_74 = arith.constant 0 : i32
        %dma_start3A_75 = arith.constant 0 : i32
        %dma_start3A_76 = tpu.memref_slice %arg5[%dma_start3A_74, %dma_start3A_75] : memref<10000x128xf32, #tpu.memory_space<hbm>> -> memref<10000x128xf32, #tpu.memory_space<hbm>>
        tpu.enqueue_indirect_dma source(%dma_start3A_76 : memref<10000x128xf32, #tpu.memory_space<hbm>>) target(%arg13 : memref<128x128xf32, #tpu.memory_space<vmem>>) offsets(%arg10 : memref<128xi32, #tpu.memory_space<vmem>>) semaphore(%arg18 : memref<!tpu.dma_semaphore, #tpu.memory_space<semaphore_mem>>)
        %dma_wait3A_77 = arith.constant 0 : i32
        %dma_wait3A_78 = arith.constant 0 : i32
        %dma_wait3A_79 = tpu.memref_slice %arg5[%dma_wait3A_77, %dma_wait3A_78] : memref<10000x128xf32, #tpu.memory_space<hbm>> -> memref<10000x128xf32, #tpu.memory_space<hbm>>
        tpu.wait_indirect_dma semaphore(%arg17 : memref<!tpu.dma_semaphore, #tpu.memory_space<semaphore_mem>>) src(%dma_wait3A_79 : memref<10000x128xf32, #tpu.memory_space<hbm>>) dst(%arg12 : memref<128x128xf32, #tpu.memory_space<vmem>>)
        "tpu.region"() ({
          %run_scoped3A = tpu.sem_alloc : memref<!tpu.dma_semaphore, #tpu.memory_space<semaphore_mem>>
          %dma_start3A_95 = arith.constant 0 : i32
          %dma_start3A_96 = arith.constant 0 : i32
          %dma_start3A_97 = tpu.memref_slice %arg14[%dma_start3A_95, %dma_start3A_96] : memref<10240x128xf32, #tpu.memory_space<vmem_shared>> -> memref<10240x128xf32, #tpu.memory_space<vmem_shared>>
          tpu.enqueue_indirect_dma source(%arg12 : memref<128x128xf32, #tpu.memory_space<vmem>>) target(%dma_start3A_97 : memref<10240x128xf32, #tpu.memory_space<vmem_shared>>) offsets(%arg9 : memref<128xi32, #tpu.memory_space<vmem>>) semaphore(%run_scoped3A : memref<!tpu.dma_semaphore, #tpu.memory_space<semaphore_mem>>) {add = true}
          %dma_wait3A_98 = arith.constant 0 : i32
          %dma_wait3A_99 = arith.constant 0 : i32
          %dma_wait3A_100 = tpu.memref_slice %arg14[%dma_wait3A_98, %dma_wait3A_99] : memref<10240x128xf32, #tpu.memory_space<vmem_shared>> -> memref<10240x128xf32, #tpu.memory_space<vmem_shared>>
          tpu.wait_indirect_dma semaphore(%run_scoped3A : memref<!tpu.dma_semaphore, #tpu.memory_space<semaphore_mem>>) src(%arg12 : memref<128x128xf32, #tpu.memory_space<vmem>>) dst(%dma_wait3A_100 : memref<10240x128xf32, #tpu.memory_space<vmem_shared>>)
          tpu.yield
        }) : () -> ()
        %add3A = arith.constant 1 : i32
        %add3A_80 = arith.addi %scan3A_45, %add3A : i32
        %lt3A = arith.constant 80 : i32
        %lt3A_81 = arith.cmpi slt, %add3A_80, %lt3A : i32
        %convert_element_type3A_82 = arith.extui %lt3A_81 : i1 to i32
        %cond3A_83 = arith.constant 0 : i32
        %cond3A_84 = arith.cmpi ne, %convert_element_type3A_82, %cond3A_83 : i32
        scf.if %cond3A_84 {
          %add3A_95 = arith.constant 2 : i32
          %add3A_96 = arith.addi %mul3A_47, %add3A_95 : i32
          %dma_start3A_97 = arith.constant 0 : i32
          %dma_start3A_98 = tpu.memref_slice %arg2[%arg1, %add3A_96, %dma_start3A_97] : memref<16x160x128xi32, #tpu.memory_space<hbm>> -> memref<1x1x128xi32, #tpu.memory_space<hbm>>
          %dma_start3A_99 = tpu.memref_squeeze %dma_start3A_98 : memref<1x1x128xi32, #tpu.memory_space<hbm>> -> memref<128xi32, #tpu.memory_space<hbm>>
          %dma_start3A_100 = arith.constant 0 : i32
          %dma_start3A_101 = tpu.memref_slice %arg2[%arg1, %add3A_96, %dma_start3A_100] : memref<16x160x128xi32, #tpu.memory_space<hbm>> -> memref<1x1x128xi32, #tpu.memory_space<hbm>>
          %dma_start3A_102 = tpu.memref_squeeze %dma_start3A_101 : memref<1x1x128xi32, #tpu.memory_space<hbm>> -> memref<128xi32, #tpu.memory_space<hbm>>
          tpu.enqueue_dma source(%dma_start3A_102 : memref<128xi32, #tpu.memory_space<hbm>>) target(%arg8 : memref<128xi32, #tpu.memory_space<vmem>>) target_semaphore(%arg15 : memref<!tpu.dma_semaphore, #tpu.memory_space<semaphore_mem>>)
          %add3A_103 = arith.constant 2 : i32
          %add3A_104 = arith.addi %mul3A_47, %add3A_103 : i32
          %dma_start3A_105 = arith.constant 0 : i32
          %dma_start3A_106 = tpu.memref_slice %arg3[%arg1, %add3A_104, %dma_start3A_105] : memref<16x160x128xi32, #tpu.memory_space<hbm>> -> memref<1x1x128xi32, #tpu.memory_space<hbm>>
          %dma_start3A_107 = tpu.memref_squeeze %dma_start3A_106 : memref<1x1x128xi32, #tpu.memory_space<hbm>> -> memref<128xi32, #tpu.memory_space<hbm>>
          %dma_start3A_108 = arith.constant 0 : i32
          %dma_start3A_109 = tpu.memref_slice %arg3[%arg1, %add3A_104, %dma_start3A_108] : memref<16x160x128xi32, #tpu.memory_space<hbm>> -> memref<1x1x128xi32, #tpu.memory_space<hbm>>
          %dma_start3A_110 = tpu.memref_squeeze %dma_start3A_109 : memref<1x1x128xi32, #tpu.memory_space<hbm>> -> memref<128xi32, #tpu.memory_space<hbm>>
          tpu.enqueue_dma source(%dma_start3A_110 : memref<128xi32, #tpu.memory_space<hbm>>) target(%arg9 : memref<128xi32, #tpu.memory_space<vmem>>) target_semaphore(%arg15 : memref<!tpu.dma_semaphore, #tpu.memory_space<semaphore_mem>>)
        } else {
        }
        %dma_wait3A_85 = arith.constant 0 : i32
        %dma_wait3A_86 = arith.constant 0 : i32
        %dma_wait3A_87 = tpu.memref_slice %arg5[%dma_wait3A_85, %dma_wait3A_86] : memref<10000x128xf32, #tpu.memory_space<hbm>> -> memref<10000x128xf32, #tpu.memory_space<hbm>>
        tpu.wait_indirect_dma semaphore(%arg18 : memref<!tpu.dma_semaphore, #tpu.memory_space<semaphore_mem>>) src(%dma_wait3A_87 : memref<10000x128xf32, #tpu.memory_space<hbm>>) dst(%arg13 : memref<128x128xf32, #tpu.memory_space<vmem>>)
        "tpu.region"() ({
          %run_scoped3A = tpu.sem_alloc : memref<!tpu.dma_semaphore, #tpu.memory_space<semaphore_mem>>
          %dma_start3A_95 = arith.constant 0 : i32
          %dma_start3A_96 = arith.constant 0 : i32
          %dma_start3A_97 = tpu.memref_slice %arg14[%dma_start3A_95, %dma_start3A_96] : memref<10240x128xf32, #tpu.memory_space<vmem_shared>> -> memref<10240x128xf32, #tpu.memory_space<vmem_shared>>
          tpu.enqueue_indirect_dma source(%arg13 : memref<128x128xf32, #tpu.memory_space<vmem>>) target(%dma_start3A_97 : memref<10240x128xf32, #tpu.memory_space<vmem_shared>>) offsets(%arg11 : memref<128xi32, #tpu.memory_space<vmem>>) semaphore(%run_scoped3A : memref<!tpu.dma_semaphore, #tpu.memory_space<semaphore_mem>>) {add = true}
          %dma_wait3A_98 = arith.constant 0 : i32
          %dma_wait3A_99 = arith.constant 0 : i32
          %dma_wait3A_100 = tpu.memref_slice %arg14[%dma_wait3A_98, %dma_wait3A_99] : memref<10240x128xf32, #tpu.memory_space<vmem_shared>> -> memref<10240x128xf32, #tpu.memory_space<vmem_shared>>
          tpu.wait_indirect_dma semaphore(%run_scoped3A : memref<!tpu.dma_semaphore, #tpu.memory_space<semaphore_mem>>) src(%arg13 : memref<128x128xf32, #tpu.memory_space<vmem>>) dst(%dma_wait3A_100 : memref<10240x128xf32, #tpu.memory_space<vmem_shared>>)
          tpu.yield
        }) : () -> ()
        %add3A_88 = arith.constant 1 : i32
        %add3A_89 = arith.addi %scan3A_45, %add3A_88 : i32
        %lt3A_90 = arith.constant 80 : i32
        %lt3A_91 = arith.cmpi slt, %add3A_89, %lt3A_90 : i32
        %convert_element_type3A_92 = arith.extui %lt3A_91 : i1 to i32
        %cond3A_93 = arith.constant 0 : i32
        %cond3A_94 = arith.cmpi ne, %convert_element_type3A_92, %cond3A_93 : i32
        scf.if %cond3A_94 {
          %add3A_95 = arith.constant 3 : i32
          %add3A_96 = arith.addi %mul3A_47, %add3A_95 : i32
          %dma_start3A_97 = arith.constant 0 : i32
          %dma_start3A_98 = tpu.memref_slice %arg2[%arg1, %add3A_96, %dma_start3A_97] : memref<16x160x128xi32, #tpu.memory_space<hbm>> -> memref<1x1x128xi32, #tpu.memory_space<hbm>>
          %dma_start3A_99 = tpu.memref_squeeze %dma_start3A_98 : memref<1x1x128xi32, #tpu.memory_space<hbm>> -> memref<128xi32, #tpu.memory_space<hbm>>
          %dma_start3A_100 = arith.constant 0 : i32
          %dma_start3A_101 = tpu.memref_slice %arg2[%arg1, %add3A_96, %dma_start3A_100] : memref<16x160x128xi32, #tpu.memory_space<hbm>> -> memref<1x1x128xi32, #tpu.memory_space<hbm>>
          %dma_start3A_102 = tpu.memref_squeeze %dma_start3A_101 : memref<1x1x128xi32, #tpu.memory_space<hbm>> -> memref<128xi32, #tpu.memory_space<hbm>>
          tpu.enqueue_dma source(%dma_start3A_102 : memref<128xi32, #tpu.memory_space<hbm>>) target(%arg10 : memref<128xi32, #tpu.memory_space<vmem>>) target_semaphore(%arg16 : memref<!tpu.dma_semaphore, #tpu.memory_space<semaphore_mem>>)
          %add3A_103 = arith.constant 3 : i32
          %add3A_104 = arith.addi %mul3A_47, %add3A_103 : i32
          %dma_start3A_105 = arith.constant 0 : i32
          %dma_start3A_106 = tpu.memref_slice %arg3[%arg1, %add3A_104, %dma_start3A_105] : memref<16x160x128xi32, #tpu.memory_space<hbm>> -> memref<1x1x128xi32, #tpu.memory_space<hbm>>
          %dma_start3A_107 = tpu.memref_squeeze %dma_start3A_106 : memref<1x1x128xi32, #tpu.memory_space<hbm>> -> memref<128xi32, #tpu.memory_space<hbm>>
          %dma_start3A_108 = arith.constant 0 : i32
          %dma_start3A_109 = tpu.memref_slice %arg3[%arg1, %add3A_104, %dma_start3A_108] : memref<16x160x128xi32, #tpu.memory_space<hbm>> -> memref<1x1x128xi32, #tpu.memory_space<hbm>>
          %dma_start3A_110 = tpu.memref_squeeze %dma_start3A_109 : memref<1x1x128xi32, #tpu.memory_space<hbm>> -> memref<128xi32, #tpu.memory_space<hbm>>
          tpu.enqueue_dma source(%dma_start3A_110 : memref<128xi32, #tpu.memory_space<hbm>>) target(%arg11 : memref<128xi32, #tpu.memory_space<vmem>>) target_semaphore(%arg16 : memref<!tpu.dma_semaphore, #tpu.memory_space<semaphore_mem>>)
        } else {
        }
      }
      %scan3A_44 = arith.constant 80 : i32
    } else {
    }
    %barrier3A_8 = arith.constant 0 : index
    tpu.barrier barrier_id(%barrier3A_8)
    %mul3A_9 = arith.constant 640 : i32
    %mul3A_10 = arith.muli %arg1, %mul3A_9 : i32
    %mul3A_11 = arith.constant 640 : i32
    %mul3A_12 = arith.muli %arg1, %mul3A_11 : i32
    "tpu.region"() ({
      %run_scoped3A = tpu.sem_alloc : memref<!tpu.dma_semaphore, #tpu.memory_space<semaphore_mem>>
      %dma_start3A = arith.constant 0 : i32
      %dma_start3A_13 = tpu.memref_slice %arg7[%arg0, %mul3A_12, %dma_start3A] : memref<2x10240x128xf32, #tpu.memory_space<hbm>> -> memref<1x640x128xf32, #tpu.memory_space<hbm>>
      %dma_start3A_14 = tpu.memref_squeeze %dma_start3A_13 : memref<1x640x128xf32, #tpu.memory_space<hbm>> -> memref<640x128xf32, #tpu.memory_space<hbm>>
      %dma_start3A_15 = arith.constant 0 : i32
      %dma_start3A_16 = tpu.memref_slice %arg14[%mul3A_10, %dma_start3A_15] : memref<10240x128xf32, #tpu.memory_space<vmem_shared>> -> memref<640x128xf32, #tpu.memory_space<vmem_shared>>
      tpu.enqueue_dma source(%dma_start3A_16 : memref<640x128xf32, #tpu.memory_space<vmem_shared>>) target(%dma_start3A_14 : memref<640x128xf32, #tpu.memory_space<hbm>>) target_semaphore(%run_scoped3A : memref<!tpu.dma_semaphore, #tpu.memory_space<semaphore_mem>>)
      %dma_wait3A = arith.constant 0 : i32
      %dma_wait3A_17 = tpu.memref_slice %arg7[%arg0, %mul3A_12, %dma_wait3A] : memref<2x10240x128xf32, #tpu.memory_space<hbm>> -> memref<1x640x128xf32, #tpu.memory_space<hbm>>
      %dma_wait3A_18 = tpu.memref_squeeze %dma_wait3A_17 : memref<1x640x128xf32, #tpu.memory_space<hbm>> -> memref<640x128xf32, #tpu.memory_space<hbm>>
      %dma_wait3A_19 = arith.constant 0 : i32
      %dma_wait3A_20 = tpu.memref_slice %arg14[%mul3A_10, %dma_wait3A_19] : memref<10240x128xf32, #tpu.memory_space<vmem_shared>> -> memref<640x128xf32, #tpu.memory_space<vmem_shared>>
      tpu.wait_dma2 semaphore(%run_scoped3A : memref<!tpu.dma_semaphore, #tpu.memory_space<semaphore_mem>>) src(%dma_wait3A_20 : memref<640x128xf32, #tpu.memory_space<vmem_shared>>) dst(%dma_wait3A_18 : memref<640x128xf32, #tpu.memory_space<hbm>>)
      tpu.yield
    }) : () -> ()
    return
  }
}

#map = affine_map<(d0, d1) -> (0)>
#map1 = affine_map<(d0, d1) -> (0, 0)>
#map2 = affine_map<(d0, d1) -> (0, 0, 0)>
module attributes {stable_mosaic.version = 14 : i64} {
  func.func @deg_kernel(%arg0: i32, %arg1: i32, %arg2: memref<327680xi32, #tpu.memory_space<hbm>>, %arg3: memref<640x128xf32, #tpu.memory_space<hbm>>, %arg4: memref<128x128xf32, #tpu.memory_space<hbm>>, %arg5: memref<2x10240x128xf32, #tpu.memory_space<hbm>>, %arg6: memref<128xi32, #tpu.memory_space<vmem>>, %arg7: memref<128xi32, #tpu.memory_space<vmem>>, %arg8: memref<128x128xf32, #tpu.memory_space<vmem>>, %arg9: memref<10240x128xf32, #tpu.memory_space<vmem_shared>>, %arg10: memref<!tpu.dma_semaphore, #tpu.memory_space<semaphore_mem>>, %arg11: memref<!tpu.dma_semaphore, #tpu.memory_space<semaphore_mem>>) attributes {dimension_semantics = [#tpu.dimension_semantics<core_parallel>, #tpu.dimension_semantics<subcore_parallel>], iteration_bounds = array<i64: 2, 16>, scalar_prefetch = 0 : i64, scratch_operands = 6 : i64, tpu.core_type = #tpu.core_type<sc_vector_subcore>, window_params = [{transform_indices = #map}, {transform_indices = #map1}, {transform_indices = #map1}, {transform_indices = #map2}]} {
    %mul3A = arith.constant 640 : i32
    %mul3A_0 = arith.muli %arg1, %mul3A : i32
    "tpu.region"() ({
      %run_scoped3A = tpu.sem_alloc : memref<!tpu.dma_semaphore, #tpu.memory_space<semaphore_mem>>
      %dma_start3A_22 = arith.constant 0 : i32
      %dma_start3A_23 = tpu.memref_slice %arg9[%mul3A_0, %dma_start3A_22] : memref<10240x128xf32, #tpu.memory_space<vmem_shared>> -> memref<640x128xf32, #tpu.memory_space<vmem_shared>>
      tpu.enqueue_dma source(%arg3 : memref<640x128xf32, #tpu.memory_space<hbm>>) target(%dma_start3A_23 : memref<640x128xf32, #tpu.memory_space<vmem_shared>>) target_semaphore(%run_scoped3A : memref<!tpu.dma_semaphore, #tpu.memory_space<semaphore_mem>>)
      %dma_wait3A = arith.constant 0 : i32
      %dma_wait3A_24 = tpu.memref_slice %arg9[%mul3A_0, %dma_wait3A] : memref<10240x128xf32, #tpu.memory_space<vmem_shared>> -> memref<640x128xf32, #tpu.memory_space<vmem_shared>>
      tpu.wait_dma2 semaphore(%run_scoped3A : memref<!tpu.dma_semaphore, #tpu.memory_space<semaphore_mem>>) src(%arg3 : memref<640x128xf32, #tpu.memory_space<hbm>>) dst(%dma_wait3A_24 : memref<640x128xf32, #tpu.memory_space<vmem_shared>>)
      tpu.yield
    }) : () -> ()
    "tpu.region"() ({
      %run_scoped3A = tpu.sem_alloc : memref<!tpu.dma_semaphore, #tpu.memory_space<semaphore_mem>>
      tpu.enqueue_dma source(%arg4 : memref<128x128xf32, #tpu.memory_space<hbm>>) target(%arg8 : memref<128x128xf32, #tpu.memory_space<vmem>>) target_semaphore(%run_scoped3A : memref<!tpu.dma_semaphore, #tpu.memory_space<semaphore_mem>>)
      tpu.wait_dma2 semaphore(%run_scoped3A : memref<!tpu.dma_semaphore, #tpu.memory_space<semaphore_mem>>) src(%arg4 : memref<128x128xf32, #tpu.memory_space<hbm>>) dst(%arg8 : memref<128x128xf32, #tpu.memory_space<vmem>>)
      tpu.yield
    }) : () -> ()
    %barrier3A = arith.constant 0 : index
    tpu.barrier barrier_id(%barrier3A)
    %mul3A_1 = arith.constant 16 : i32
    %mul3A_2 = arith.muli %arg0, %mul3A_1 : i32
    %add3A = arith.addi %mul3A_2, %arg1 : i32
    %mul3A_3 = arith.constant 80 : i32
    %mul3A_4 = arith.muli %add3A, %mul3A_3 : i32
    %mul3A_5 = arith.constant 128 : i32
    %mul3A_6 = arith.muli %mul3A_4, %mul3A_5 : i32
    %dma_start3A = tpu.memref_slice %arg2[%mul3A_6] : memref<327680xi32, #tpu.memory_space<hbm>> -> memref<128xi32, #tpu.memory_space<hbm>>
    %dma_start3A_7 = tpu.memref_slice %arg2[%mul3A_6] : memref<327680xi32, #tpu.memory_space<hbm>> -> memref<128xi32, #tpu.memory_space<hbm>>
    tpu.enqueue_dma source(%dma_start3A_7 : memref<128xi32, #tpu.memory_space<hbm>>) target(%arg6 : memref<128xi32, #tpu.memory_space<vmem>>) target_semaphore(%arg10 : memref<!tpu.dma_semaphore, #tpu.memory_space<semaphore_mem>>)
    %add3A_8 = arith.constant 128 : i32
    %add3A_9 = arith.addi %mul3A_6, %add3A_8 : i32
    %dma_start3A_10 = tpu.memref_slice %arg2[%add3A_9] : memref<327680xi32, #tpu.memory_space<hbm>> -> memref<128xi32, #tpu.memory_space<hbm>>
    %dma_start3A_11 = tpu.memref_slice %arg2[%add3A_9] : memref<327680xi32, #tpu.memory_space<hbm>> -> memref<128xi32, #tpu.memory_space<hbm>>
    tpu.enqueue_dma source(%dma_start3A_11 : memref<128xi32, #tpu.memory_space<hbm>>) target(%arg7 : memref<128xi32, #tpu.memory_space<vmem>>) target_semaphore(%arg11 : memref<!tpu.dma_semaphore, #tpu.memory_space<semaphore_mem>>)
    %scan3A = arith.constant 0 : i32
    %scan3A_12 = arith.constant 0 : i32
    %scan3A_13 = arith.constant 40 : i32
    %scan3A_14 = arith.addi %scan3A_12, %scan3A_13 : i32
    %scan3A_15 = arith.constant 1 : i32
    scf.for %scan3A_22 = %scan3A_12 to %scan3A_14 step %scan3A_15  : i32 {
      %mul3A_23 = arith.constant 2 : i32
      %mul3A_24 = arith.muli %mul3A_23, %scan3A_22 : i32
      %dma_wait3A = tpu.memref_slice %arg2[%mul3A_6] : memref<327680xi32, #tpu.memory_space<hbm>> -> memref<128xi32, #tpu.memory_space<hbm>>
      %dma_wait3A_25 = tpu.memref_slice %arg2[%mul3A_6] : memref<327680xi32, #tpu.memory_space<hbm>> -> memref<128xi32, #tpu.memory_space<hbm>>
      tpu.wait_dma2 semaphore(%arg10 : memref<!tpu.dma_semaphore, #tpu.memory_space<semaphore_mem>>) src(%dma_wait3A_25 : memref<128xi32, #tpu.memory_space<hbm>>) dst(%arg6 : memref<128xi32, #tpu.memory_space<vmem>>)
      "tpu.region"() ({
        %run_scoped3A = tpu.sem_alloc : memref<!tpu.dma_semaphore, #tpu.memory_space<semaphore_mem>>
        %dma_start3A_39 = arith.constant 0 : i32
        %dma_start3A_40 = arith.constant 0 : i32
        %dma_start3A_41 = tpu.memref_slice %arg9[%dma_start3A_39, %dma_start3A_40] : memref<10240x128xf32, #tpu.memory_space<vmem_shared>> -> memref<10240x128xf32, #tpu.memory_space<vmem_shared>>
        tpu.enqueue_indirect_dma source(%arg8 : memref<128x128xf32, #tpu.memory_space<vmem>>) target(%dma_start3A_41 : memref<10240x128xf32, #tpu.memory_space<vmem_shared>>) offsets(%arg6 : memref<128xi32, #tpu.memory_space<vmem>>) semaphore(%run_scoped3A : memref<!tpu.dma_semaphore, #tpu.memory_space<semaphore_mem>>) {add = true}
        %dma_wait3A_42 = arith.constant 0 : i32
        %dma_wait3A_43 = arith.constant 0 : i32
        %dma_wait3A_44 = tpu.memref_slice %arg9[%dma_wait3A_42, %dma_wait3A_43] : memref<10240x128xf32, #tpu.memory_space<vmem_shared>> -> memref<10240x128xf32, #tpu.memory_space<vmem_shared>>
        tpu.wait_indirect_dma semaphore(%run_scoped3A : memref<!tpu.dma_semaphore, #tpu.memory_space<semaphore_mem>>) src(%arg8 : memref<128x128xf32, #tpu.memory_space<vmem>>) dst(%dma_wait3A_44 : memref<10240x128xf32, #tpu.memory_space<vmem_shared>>)
        tpu.yield
      }) : () -> ()
      %add3A_26 = arith.constant 1 : i32
      %add3A_27 = arith.addi %scan3A_22, %add3A_26 : i32
      %lt3A = arith.constant 40 : i32
      %lt3A_28 = arith.cmpi slt, %add3A_27, %lt3A : i32
      %convert_element_type3A = arith.extui %lt3A_28 : i1 to i32
      %cond3A = arith.constant 0 : i32
      %cond3A_29 = arith.cmpi ne, %convert_element_type3A, %cond3A : i32
      scf.if %cond3A_29 {
        %add3A_39 = arith.constant 2 : i32
        %add3A_40 = arith.addi %mul3A_24, %add3A_39 : i32
        %mul3A_41 = arith.constant 128 : i32
        %mul3A_42 = arith.muli %add3A_40, %mul3A_41 : i32
        %add3A_43 = arith.addi %mul3A_6, %mul3A_42 : i32
        %dma_start3A_44 = tpu.memref_slice %arg2[%add3A_43] : memref<327680xi32, #tpu.memory_space<hbm>> -> memref<128xi32, #tpu.memory_space<hbm>>
        %dma_start3A_45 = tpu.memref_slice %arg2[%add3A_43] : memref<327680xi32, #tpu.memory_space<hbm>> -> memref<128xi32, #tpu.memory_space<hbm>>
        tpu.enqueue_dma source(%dma_start3A_45 : memref<128xi32, #tpu.memory_space<hbm>>) target(%arg6 : memref<128xi32, #tpu.memory_space<vmem>>) target_semaphore(%arg10 : memref<!tpu.dma_semaphore, #tpu.memory_space<semaphore_mem>>)
      } else {
      }
      %dma_wait3A_30 = tpu.memref_slice %arg2[%mul3A_6] : memref<327680xi32, #tpu.memory_space<hbm>> -> memref<128xi32, #tpu.memory_space<hbm>>
      %dma_wait3A_31 = tpu.memref_slice %arg2[%mul3A_6] : memref<327680xi32, #tpu.memory_space<hbm>> -> memref<128xi32, #tpu.memory_space<hbm>>
      tpu.wait_dma2 semaphore(%arg11 : memref<!tpu.dma_semaphore, #tpu.memory_space<semaphore_mem>>) src(%dma_wait3A_31 : memref<128xi32, #tpu.memory_space<hbm>>) dst(%arg7 : memref<128xi32, #tpu.memory_space<vmem>>)
      "tpu.region"() ({
        %run_scoped3A = tpu.sem_alloc : memref<!tpu.dma_semaphore, #tpu.memory_space<semaphore_mem>>
        %dma_start3A_39 = arith.constant 0 : i32
        %dma_start3A_40 = arith.constant 0 : i32
        %dma_start3A_41 = tpu.memref_slice %arg9[%dma_start3A_39, %dma_start3A_40] : memref<10240x128xf32, #tpu.memory_space<vmem_shared>> -> memref<10240x128xf32, #tpu.memory_space<vmem_shared>>
        tpu.enqueue_indirect_dma source(%arg8 : memref<128x128xf32, #tpu.memory_space<vmem>>) target(%dma_start3A_41 : memref<10240x128xf32, #tpu.memory_space<vmem_shared>>) offsets(%arg7 : memref<128xi32, #tpu.memory_space<vmem>>) semaphore(%run_scoped3A : memref<!tpu.dma_semaphore, #tpu.memory_space<semaphore_mem>>) {add = true}
        %dma_wait3A_42 = arith.constant 0 : i32
        %dma_wait3A_43 = arith.constant 0 : i32
        %dma_wait3A_44 = tpu.memref_slice %arg9[%dma_wait3A_42, %dma_wait3A_43] : memref<10240x128xf32, #tpu.memory_space<vmem_shared>> -> memref<10240x128xf32, #tpu.memory_space<vmem_shared>>
        tpu.wait_indirect_dma semaphore(%run_scoped3A : memref<!tpu.dma_semaphore, #tpu.memory_space<semaphore_mem>>) src(%arg8 : memref<128x128xf32, #tpu.memory_space<vmem>>) dst(%dma_wait3A_44 : memref<10240x128xf32, #tpu.memory_space<vmem_shared>>)
        tpu.yield
      }) : () -> ()
      %add3A_32 = arith.constant 1 : i32
      %add3A_33 = arith.addi %scan3A_22, %add3A_32 : i32
      %lt3A_34 = arith.constant 40 : i32
      %lt3A_35 = arith.cmpi slt, %add3A_33, %lt3A_34 : i32
      %convert_element_type3A_36 = arith.extui %lt3A_35 : i1 to i32
      %cond3A_37 = arith.constant 0 : i32
      %cond3A_38 = arith.cmpi ne, %convert_element_type3A_36, %cond3A_37 : i32
      scf.if %cond3A_38 {
        %add3A_39 = arith.constant 3 : i32
        %add3A_40 = arith.addi %mul3A_24, %add3A_39 : i32
        %mul3A_41 = arith.constant 128 : i32
        %mul3A_42 = arith.muli %add3A_40, %mul3A_41 : i32
        %add3A_43 = arith.addi %mul3A_6, %mul3A_42 : i32
        %dma_start3A_44 = tpu.memref_slice %arg2[%add3A_43] : memref<327680xi32, #tpu.memory_space<hbm>> -> memref<128xi32, #tpu.memory_space<hbm>>
        %dma_start3A_45 = tpu.memref_slice %arg2[%add3A_43] : memref<327680xi32, #tpu.memory_space<hbm>> -> memref<128xi32, #tpu.memory_space<hbm>>
        tpu.enqueue_dma source(%dma_start3A_45 : memref<128xi32, #tpu.memory_space<hbm>>) target(%arg7 : memref<128xi32, #tpu.memory_space<vmem>>) target_semaphore(%arg11 : memref<!tpu.dma_semaphore, #tpu.memory_space<semaphore_mem>>)
      } else {
      }
    }
    %scan3A_16 = arith.constant 40 : i32
    %barrier3A_17 = arith.constant 0 : index
    tpu.barrier barrier_id(%barrier3A_17)
    %mul3A_18 = arith.constant 640 : i32
    %mul3A_19 = arith.muli %arg1, %mul3A_18 : i32
    %mul3A_20 = arith.constant 640 : i32
    %mul3A_21 = arith.muli %arg1, %mul3A_20 : i32
    "tpu.region"() ({
      %run_scoped3A = tpu.sem_alloc : memref<!tpu.dma_semaphore, #tpu.memory_space<semaphore_mem>>
      %dma_start3A_22 = arith.constant 0 : i32
      %dma_start3A_23 = tpu.memref_slice %arg5[%arg0, %mul3A_21, %dma_start3A_22] : memref<2x10240x128xf32, #tpu.memory_space<hbm>> -> memref<1x640x128xf32, #tpu.memory_space<hbm>>
      %dma_start3A_24 = tpu.memref_squeeze %dma_start3A_23 : memref<1x640x128xf32, #tpu.memory_space<hbm>> -> memref<640x128xf32, #tpu.memory_space<hbm>>
      %dma_start3A_25 = arith.constant 0 : i32
      %dma_start3A_26 = tpu.memref_slice %arg9[%mul3A_19, %dma_start3A_25] : memref<10240x128xf32, #tpu.memory_space<vmem_shared>> -> memref<640x128xf32, #tpu.memory_space<vmem_shared>>
      tpu.enqueue_dma source(%dma_start3A_26 : memref<640x128xf32, #tpu.memory_space<vmem_shared>>) target(%dma_start3A_24 : memref<640x128xf32, #tpu.memory_space<hbm>>) target_semaphore(%run_scoped3A : memref<!tpu.dma_semaphore, #tpu.memory_space<semaphore_mem>>)
      %dma_wait3A = arith.constant 0 : i32
      %dma_wait3A_27 = tpu.memref_slice %arg5[%arg0, %mul3A_21, %dma_wait3A] : memref<2x10240x128xf32, #tpu.memory_space<hbm>> -> memref<1x640x128xf32, #tpu.memory_space<hbm>>
      %dma_wait3A_28 = tpu.memref_squeeze %dma_wait3A_27 : memref<1x640x128xf32, #tpu.memory_space<hbm>> -> memref<640x128xf32, #tpu.memory_space<hbm>>
      %dma_wait3A_29 = arith.constant 0 : i32
      %dma_wait3A_30 = tpu.memref_slice %arg9[%mul3A_19, %dma_wait3A_29] : memref<10240x128xf32, #tpu.memory_space<vmem_shared>> -> memref<640x128xf32, #tpu.memory_space<vmem_shared>>
      tpu.wait_dma2 semaphore(%run_scoped3A : memref<!tpu.dma_semaphore, #tpu.memory_space<semaphore_mem>>) src(%dma_wait3A_30 : memref<640x128xf32, #tpu.memory_space<vmem_shared>>) dst(%dma_wait3A_28 : memref<640x128xf32, #tpu.memory_space<hbm>>)
      tpu.yield
    }) : () -> ()
    return
  }
}

#map = affine_map<(d0, d1) -> (0, 0, 0)>
#map1 = affine_map<(d0, d1) -> (0, 0)>
module attributes {stable_mosaic.version = 14 : i64} {
  func.func @prop_kernel(%arg0: i32, %arg1: i32, %arg2: memref<16x160x128xi32, #tpu.memory_space<hbm>>, %arg3: memref<16x160x128xi32, #tpu.memory_space<hbm>>, %arg4: memref<10000x128xf32, #tpu.memory_space<hbm>>, %arg5: memref<10000x128xf32, #tpu.memory_space<hbm>>, %arg6: memref<640x128xf32, #tpu.memory_space<hbm>>, %arg7: memref<2x10240x128xf32, #tpu.memory_space<hbm>>, %arg8: memref<128xi32, #tpu.memory_space<vmem>>, %arg9: memref<128xi32, #tpu.memory_space<vmem>>, %arg10: memref<128xi32, #tpu.memory_space<vmem>>, %arg11: memref<128xi32, #tpu.memory_space<vmem>>, %arg12: memref<128x128xf32, #tpu.memory_space<vmem>>, %arg13: memref<128x128xf32, #tpu.memory_space<vmem>>, %arg14: memref<10240x128xf32, #tpu.memory_space<vmem_shared>>, %arg15: memref<!tpu.dma_semaphore, #tpu.memory_space<semaphore_mem>>, %arg16: memref<!tpu.dma_semaphore, #tpu.memory_space<semaphore_mem>>, %arg17: memref<!tpu.dma_semaphore, #tpu.memory_space<semaphore_mem>>, %arg18: memref<!tpu.dma_semaphore, #tpu.memory_space<semaphore_mem>>) attributes {dimension_semantics = [#tpu.dimension_semantics<core_parallel>, #tpu.dimension_semantics<subcore_parallel>], iteration_bounds = array<i64: 2, 16>, scalar_prefetch = 0 : i64, scratch_operands = 11 : i64, tpu.core_type = #tpu.core_type<sc_vector_subcore>, window_params = [{transform_indices = #map}, {transform_indices = #map}, {transform_indices = #map1}, {transform_indices = #map1}, {transform_indices = #map1}, {transform_indices = #map}]} {
    %mul3A = arith.constant 640 : i32
    %mul3A_0 = arith.muli %arg1, %mul3A : i32
    "tpu.region"() ({
      %run_scoped3A = tpu.sem_alloc : memref<!tpu.dma_semaphore, #tpu.memory_space<semaphore_mem>>
      %dma_start3A = arith.constant 0 : i32
      %dma_start3A_13 = tpu.memref_slice %arg14[%mul3A_0, %dma_start3A] : memref<10240x128xf32, #tpu.memory_space<vmem_shared>> -> memref<640x128xf32, #tpu.memory_space<vmem_shared>>
      tpu.enqueue_dma source(%arg6 : memref<640x128xf32, #tpu.memory_space<hbm>>) target(%dma_start3A_13 : memref<640x128xf32, #tpu.memory_space<vmem_shared>>) target_semaphore(%run_scoped3A : memref<!tpu.dma_semaphore, #tpu.memory_space<semaphore_mem>>)
      %dma_wait3A = arith.constant 0 : i32
      %dma_wait3A_14 = tpu.memref_slice %arg14[%mul3A_0, %dma_wait3A] : memref<10240x128xf32, #tpu.memory_space<vmem_shared>> -> memref<640x128xf32, #tpu.memory_space<vmem_shared>>
      tpu.wait_dma2 semaphore(%run_scoped3A : memref<!tpu.dma_semaphore, #tpu.memory_space<semaphore_mem>>) src(%arg6 : memref<640x128xf32, #tpu.memory_space<hbm>>) dst(%dma_wait3A_14 : memref<640x128xf32, #tpu.memory_space<vmem_shared>>)
      tpu.yield
    }) : () -> ()
    %barrier3A = arith.constant 0 : index
    tpu.barrier barrier_id(%barrier3A)
    %eq3A = arith.constant 0 : i32
    %eq3A_1 = arith.cmpi eq, %arg0, %eq3A : i32
    %convert_element_type3A = arith.extui %eq3A_1 : i1 to i32
    %cond3A = arith.constant 0 : i32
    %cond3A_2 = arith.cmpi ne, %convert_element_type3A, %cond3A : i32
    scf.if %cond3A_2 {
      %dma_start3A = arith.constant 0 : i32
      %dma_start3A_13 = arith.constant 0 : i32
      %dma_start3A_14 = tpu.memref_slice %arg2[%arg1, %dma_start3A, %dma_start3A_13] : memref<16x160x128xi32, #tpu.memory_space<hbm>> -> memref<1x1x128xi32, #tpu.memory_space<hbm>>
      %dma_start3A_15 = tpu.memref_squeeze %dma_start3A_14 : memref<1x1x128xi32, #tpu.memory_space<hbm>> -> memref<128xi32, #tpu.memory_space<hbm>>
      %dma_start3A_16 = arith.constant 0 : i32
      %dma_start3A_17 = tpu.memref_slice %arg2[%arg1, %dma_start3A, %dma_start3A_16] : memref<16x160x128xi32, #tpu.memory_space<hbm>> -> memref<1x1x128xi32, #tpu.memory_space<hbm>>
      %dma_start3A_18 = tpu.memref_squeeze %dma_start3A_17 : memref<1x1x128xi32, #tpu.memory_space<hbm>> -> memref<128xi32, #tpu.memory_space<hbm>>
      tpu.enqueue_dma source(%dma_start3A_18 : memref<128xi32, #tpu.memory_space<hbm>>) target(%arg8 : memref<128xi32, #tpu.memory_space<vmem>>) target_semaphore(%arg15 : memref<!tpu.dma_semaphore, #tpu.memory_space<semaphore_mem>>)
      %dma_start3A_19 = arith.constant 0 : i32
      %dma_start3A_20 = arith.constant 0 : i32
      %dma_start3A_21 = tpu.memref_slice %arg3[%arg1, %dma_start3A_19, %dma_start3A_20] : memref<16x160x128xi32, #tpu.memory_space<hbm>> -> memref<1x1x128xi32, #tpu.memory_space<hbm>>
      %dma_start3A_22 = tpu.memref_squeeze %dma_start3A_21 : memref<1x1x128xi32, #tpu.memory_space<hbm>> -> memref<128xi32, #tpu.memory_space<hbm>>
      %dma_start3A_23 = arith.constant 0 : i32
      %dma_start3A_24 = tpu.memref_slice %arg3[%arg1, %dma_start3A_19, %dma_start3A_23] : memref<16x160x128xi32, #tpu.memory_space<hbm>> -> memref<1x1x128xi32, #tpu.memory_space<hbm>>
      %dma_start3A_25 = tpu.memref_squeeze %dma_start3A_24 : memref<1x1x128xi32, #tpu.memory_space<hbm>> -> memref<128xi32, #tpu.memory_space<hbm>>
      tpu.enqueue_dma source(%dma_start3A_25 : memref<128xi32, #tpu.memory_space<hbm>>) target(%arg9 : memref<128xi32, #tpu.memory_space<vmem>>) target_semaphore(%arg15 : memref<!tpu.dma_semaphore, #tpu.memory_space<semaphore_mem>>)
      %dma_start3A_26 = arith.constant 1 : i32
      %dma_start3A_27 = arith.constant 0 : i32
      %dma_start3A_28 = tpu.memref_slice %arg2[%arg1, %dma_start3A_26, %dma_start3A_27] : memref<16x160x128xi32, #tpu.memory_space<hbm>> -> memref<1x1x128xi32, #tpu.memory_space<hbm>>
      %dma_start3A_29 = tpu.memref_squeeze %dma_start3A_28 : memref<1x1x128xi32, #tpu.memory_space<hbm>> -> memref<128xi32, #tpu.memory_space<hbm>>
      %dma_start3A_30 = arith.constant 0 : i32
      %dma_start3A_31 = tpu.memref_slice %arg2[%arg1, %dma_start3A_26, %dma_start3A_30] : memref<16x160x128xi32, #tpu.memory_space<hbm>> -> memref<1x1x128xi32, #tpu.memory_space<hbm>>
      %dma_start3A_32 = tpu.memref_squeeze %dma_start3A_31 : memref<1x1x128xi32, #tpu.memory_space<hbm>> -> memref<128xi32, #tpu.memory_space<hbm>>
      tpu.enqueue_dma source(%dma_start3A_32 : memref<128xi32, #tpu.memory_space<hbm>>) target(%arg10 : memref<128xi32, #tpu.memory_space<vmem>>) target_semaphore(%arg16 : memref<!tpu.dma_semaphore, #tpu.memory_space<semaphore_mem>>)
      %dma_start3A_33 = arith.constant 1 : i32
      %dma_start3A_34 = arith.constant 0 : i32
      %dma_start3A_35 = tpu.memref_slice %arg3[%arg1, %dma_start3A_33, %dma_start3A_34] : memref<16x160x128xi32, #tpu.memory_space<hbm>> -> memref<1x1x128xi32, #tpu.memory_space<hbm>>
      %dma_start3A_36 = tpu.memref_squeeze %dma_start3A_35 : memref<1x1x128xi32, #tpu.memory_space<hbm>> -> memref<128xi32, #tpu.memory_space<hbm>>
      %dma_start3A_37 = arith.constant 0 : i32
      %dma_start3A_38 = tpu.memref_slice %arg3[%arg1, %dma_start3A_33, %dma_start3A_37] : memref<16x160x128xi32, #tpu.memory_space<hbm>> -> memref<1x1x128xi32, #tpu.memory_space<hbm>>
      %dma_start3A_39 = tpu.memref_squeeze %dma_start3A_38 : memref<1x1x128xi32, #tpu.memory_space<hbm>> -> memref<128xi32, #tpu.memory_space<hbm>>
      tpu.enqueue_dma source(%dma_start3A_39 : memref<128xi32, #tpu.memory_space<hbm>>) target(%arg11 : memref<128xi32, #tpu.memory_space<vmem>>) target_semaphore(%arg16 : memref<!tpu.dma_semaphore, #tpu.memory_space<semaphore_mem>>)
      %scan3A = arith.constant 0 : i32
      %scan3A_40 = arith.constant 0 : i32
      %scan3A_41 = arith.constant 80 : i32
      %scan3A_42 = arith.addi %scan3A_40, %scan3A_41 : i32
      %scan3A_43 = arith.constant 1 : i32
      scf.for %scan3A_45 = %scan3A_40 to %scan3A_42 step %scan3A_43  : i32 {
        %mul3A_46 = arith.constant 2 : i32
        %mul3A_47 = arith.muli %mul3A_46, %scan3A_45 : i32
        %dma_wait3A = arith.constant 0 : i32
        %dma_wait3A_48 = tpu.memref_slice %arg2[%arg1, %mul3A_47, %dma_wait3A] : memref<16x160x128xi32, #tpu.memory_space<hbm>> -> memref<1x1x128xi32, #tpu.memory_space<hbm>>
        %dma_wait3A_49 = tpu.memref_squeeze %dma_wait3A_48 : memref<1x1x128xi32, #tpu.memory_space<hbm>> -> memref<128xi32, #tpu.memory_space<hbm>>
        %dma_wait3A_50 = arith.constant 0 : i32
        %dma_wait3A_51 = tpu.memref_slice %arg2[%arg1, %mul3A_47, %dma_wait3A_50] : memref<16x160x128xi32, #tpu.memory_space<hbm>> -> memref<1x1x128xi32, #tpu.memory_space<hbm>>
        %dma_wait3A_52 = tpu.memref_squeeze %dma_wait3A_51 : memref<1x1x128xi32, #tpu.memory_space<hbm>> -> memref<128xi32, #tpu.memory_space<hbm>>
        tpu.wait_dma2 semaphore(%arg15 : memref<!tpu.dma_semaphore, #tpu.memory_space<semaphore_mem>>) src(%dma_wait3A_52 : memref<128xi32, #tpu.memory_space<hbm>>) dst(%arg8 : memref<128xi32, #tpu.memory_space<vmem>>)
        %dma_wait3A_53 = arith.constant 0 : i32
        %dma_wait3A_54 = tpu.memref_slice %arg3[%arg1, %mul3A_47, %dma_wait3A_53] : memref<16x160x128xi32, #tpu.memory_space<hbm>> -> memref<1x1x128xi32, #tpu.memory_space<hbm>>
        %dma_wait3A_55 = tpu.memref_squeeze %dma_wait3A_54 : memref<1x1x128xi32, #tpu.memory_space<hbm>> -> memref<128xi32, #tpu.memory_space<hbm>>
        %dma_wait3A_56 = arith.constant 0 : i32
        %dma_wait3A_57 = tpu.memref_slice %arg3[%arg1, %mul3A_47, %dma_wait3A_56] : memref<16x160x128xi32, #tpu.memory_space<hbm>> -> memref<1x1x128xi32, #tpu.memory_space<hbm>>
        %dma_wait3A_58 = tpu.memref_squeeze %dma_wait3A_57 : memref<1x1x128xi32, #tpu.memory_space<hbm>> -> memref<128xi32, #tpu.memory_space<hbm>>
        tpu.wait_dma2 semaphore(%arg15 : memref<!tpu.dma_semaphore, #tpu.memory_space<semaphore_mem>>) src(%dma_wait3A_58 : memref<128xi32, #tpu.memory_space<hbm>>) dst(%arg9 : memref<128xi32, #tpu.memory_space<vmem>>)
        %dma_start3A_59 = arith.constant 0 : i32
        %dma_start3A_60 = arith.constant 0 : i32
        %dma_start3A_61 = tpu.memref_slice %arg4[%dma_start3A_59, %dma_start3A_60] : memref<10000x128xf32, #tpu.memory_space<hbm>> -> memref<10000x128xf32, #tpu.memory_space<hbm>>
        tpu.enqueue_indirect_dma source(%dma_start3A_61 : memref<10000x128xf32, #tpu.memory_space<hbm>>) target(%arg12 : memref<128x128xf32, #tpu.memory_space<vmem>>) offsets(%arg8 : memref<128xi32, #tpu.memory_space<vmem>>) semaphore(%arg17 : memref<!tpu.dma_semaphore, #tpu.memory_space<semaphore_mem>>)
        %dma_wait3A_62 = arith.constant 0 : i32
        %dma_wait3A_63 = tpu.memref_slice %arg2[%arg1, %mul3A_47, %dma_wait3A_62] : memref<16x160x128xi32, #tpu.memory_space<hbm>> -> memref<1x1x128xi32, #tpu.memory_space<hbm>>
        %dma_wait3A_64 = tpu.memref_squeeze %dma_wait3A_63 : memref<1x1x128xi32, #tpu.memory_space<hbm>> -> memref<128xi32, #tpu.memory_space<hbm>>
        %dma_wait3A_65 = arith.constant 0 : i32
        %dma_wait3A_66 = tpu.memref_slice %arg2[%arg1, %mul3A_47, %dma_wait3A_65] : memref<16x160x128xi32, #tpu.memory_space<hbm>> -> memref<1x1x128xi32, #tpu.memory_space<hbm>>
        %dma_wait3A_67 = tpu.memref_squeeze %dma_wait3A_66 : memref<1x1x128xi32, #tpu.memory_space<hbm>> -> memref<128xi32, #tpu.memory_space<hbm>>
        tpu.wait_dma2 semaphore(%arg16 : memref<!tpu.dma_semaphore, #tpu.memory_space<semaphore_mem>>) src(%dma_wait3A_67 : memref<128xi32, #tpu.memory_space<hbm>>) dst(%arg10 : memref<128xi32, #tpu.memory_space<vmem>>)
        %dma_wait3A_68 = arith.constant 0 : i32
        %dma_wait3A_69 = tpu.memref_slice %arg3[%arg1, %mul3A_47, %dma_wait3A_68] : memref<16x160x128xi32, #tpu.memory_space<hbm>> -> memref<1x1x128xi32, #tpu.memory_space<hbm>>
        %dma_wait3A_70 = tpu.memref_squeeze %dma_wait3A_69 : memref<1x1x128xi32, #tpu.memory_space<hbm>> -> memref<128xi32, #tpu.memory_space<hbm>>
        %dma_wait3A_71 = arith.constant 0 : i32
        %dma_wait3A_72 = tpu.memref_slice %arg3[%arg1, %mul3A_47, %dma_wait3A_71] : memref<16x160x128xi32, #tpu.memory_space<hbm>> -> memref<1x1x128xi32, #tpu.memory_space<hbm>>
        %dma_wait3A_73 = tpu.memref_squeeze %dma_wait3A_72 : memref<1x1x128xi32, #tpu.memory_space<hbm>> -> memref<128xi32, #tpu.memory_space<hbm>>
        tpu.wait_dma2 semaphore(%arg16 : memref<!tpu.dma_semaphore, #tpu.memory_space<semaphore_mem>>) src(%dma_wait3A_73 : memref<128xi32, #tpu.memory_space<hbm>>) dst(%arg11 : memref<128xi32, #tpu.memory_space<vmem>>)
        %dma_start3A_74 = arith.constant 0 : i32
        %dma_start3A_75 = arith.constant 0 : i32
        %dma_start3A_76 = tpu.memref_slice %arg4[%dma_start3A_74, %dma_start3A_75] : memref<10000x128xf32, #tpu.memory_space<hbm>> -> memref<10000x128xf32, #tpu.memory_space<hbm>>
        tpu.enqueue_indirect_dma source(%dma_start3A_76 : memref<10000x128xf32, #tpu.memory_space<hbm>>) target(%arg13 : memref<128x128xf32, #tpu.memory_space<vmem>>) offsets(%arg10 : memref<128xi32, #tpu.memory_space<vmem>>) semaphore(%arg18 : memref<!tpu.dma_semaphore, #tpu.memory_space<semaphore_mem>>)
        %dma_wait3A_77 = arith.constant 0 : i32
        %dma_wait3A_78 = arith.constant 0 : i32
        %dma_wait3A_79 = tpu.memref_slice %arg4[%dma_wait3A_77, %dma_wait3A_78] : memref<10000x128xf32, #tpu.memory_space<hbm>> -> memref<10000x128xf32, #tpu.memory_space<hbm>>
        tpu.wait_indirect_dma semaphore(%arg17 : memref<!tpu.dma_semaphore, #tpu.memory_space<semaphore_mem>>) src(%dma_wait3A_79 : memref<10000x128xf32, #tpu.memory_space<hbm>>) dst(%arg12 : memref<128x128xf32, #tpu.memory_space<vmem>>)
        "tpu.region"() ({
          %run_scoped3A = tpu.sem_alloc : memref<!tpu.dma_semaphore, #tpu.memory_space<semaphore_mem>>
          %dma_start3A_95 = arith.constant 0 : i32
          %dma_start3A_96 = arith.constant 0 : i32
          %dma_start3A_97 = tpu.memref_slice %arg14[%dma_start3A_95, %dma_start3A_96] : memref<10240x128xf32, #tpu.memory_space<vmem_shared>> -> memref<10240x128xf32, #tpu.memory_space<vmem_shared>>
          tpu.enqueue_indirect_dma source(%arg12 : memref<128x128xf32, #tpu.memory_space<vmem>>) target(%dma_start3A_97 : memref<10240x128xf32, #tpu.memory_space<vmem_shared>>) offsets(%arg9 : memref<128xi32, #tpu.memory_space<vmem>>) semaphore(%run_scoped3A : memref<!tpu.dma_semaphore, #tpu.memory_space<semaphore_mem>>) {add = true}
          %dma_wait3A_98 = arith.constant 0 : i32
          %dma_wait3A_99 = arith.constant 0 : i32
          %dma_wait3A_100 = tpu.memref_slice %arg14[%dma_wait3A_98, %dma_wait3A_99] : memref<10240x128xf32, #tpu.memory_space<vmem_shared>> -> memref<10240x128xf32, #tpu.memory_space<vmem_shared>>
          tpu.wait_indirect_dma semaphore(%run_scoped3A : memref<!tpu.dma_semaphore, #tpu.memory_space<semaphore_mem>>) src(%arg12 : memref<128x128xf32, #tpu.memory_space<vmem>>) dst(%dma_wait3A_100 : memref<10240x128xf32, #tpu.memory_space<vmem_shared>>)
          tpu.yield
        }) : () -> ()
        %add3A = arith.constant 1 : i32
        %add3A_80 = arith.addi %scan3A_45, %add3A : i32
        %lt3A = arith.constant 80 : i32
        %lt3A_81 = arith.cmpi slt, %add3A_80, %lt3A : i32
        %convert_element_type3A_82 = arith.extui %lt3A_81 : i1 to i32
        %cond3A_83 = arith.constant 0 : i32
        %cond3A_84 = arith.cmpi ne, %convert_element_type3A_82, %cond3A_83 : i32
        scf.if %cond3A_84 {
          %add3A_95 = arith.constant 2 : i32
          %add3A_96 = arith.addi %mul3A_47, %add3A_95 : i32
          %dma_start3A_97 = arith.constant 0 : i32
          %dma_start3A_98 = tpu.memref_slice %arg2[%arg1, %add3A_96, %dma_start3A_97] : memref<16x160x128xi32, #tpu.memory_space<hbm>> -> memref<1x1x128xi32, #tpu.memory_space<hbm>>
          %dma_start3A_99 = tpu.memref_squeeze %dma_start3A_98 : memref<1x1x128xi32, #tpu.memory_space<hbm>> -> memref<128xi32, #tpu.memory_space<hbm>>
          %dma_start3A_100 = arith.constant 0 : i32
          %dma_start3A_101 = tpu.memref_slice %arg2[%arg1, %add3A_96, %dma_start3A_100] : memref<16x160x128xi32, #tpu.memory_space<hbm>> -> memref<1x1x128xi32, #tpu.memory_space<hbm>>
          %dma_start3A_102 = tpu.memref_squeeze %dma_start3A_101 : memref<1x1x128xi32, #tpu.memory_space<hbm>> -> memref<128xi32, #tpu.memory_space<hbm>>
          tpu.enqueue_dma source(%dma_start3A_102 : memref<128xi32, #tpu.memory_space<hbm>>) target(%arg8 : memref<128xi32, #tpu.memory_space<vmem>>) target_semaphore(%arg15 : memref<!tpu.dma_semaphore, #tpu.memory_space<semaphore_mem>>)
          %add3A_103 = arith.constant 2 : i32
          %add3A_104 = arith.addi %mul3A_47, %add3A_103 : i32
          %dma_start3A_105 = arith.constant 0 : i32
          %dma_start3A_106 = tpu.memref_slice %arg3[%arg1, %add3A_104, %dma_start3A_105] : memref<16x160x128xi32, #tpu.memory_space<hbm>> -> memref<1x1x128xi32, #tpu.memory_space<hbm>>
          %dma_start3A_107 = tpu.memref_squeeze %dma_start3A_106 : memref<1x1x128xi32, #tpu.memory_space<hbm>> -> memref<128xi32, #tpu.memory_space<hbm>>
          %dma_start3A_108 = arith.constant 0 : i32
          %dma_start3A_109 = tpu.memref_slice %arg3[%arg1, %add3A_104, %dma_start3A_108] : memref<16x160x128xi32, #tpu.memory_space<hbm>> -> memref<1x1x128xi32, #tpu.memory_space<hbm>>
          %dma_start3A_110 = tpu.memref_squeeze %dma_start3A_109 : memref<1x1x128xi32, #tpu.memory_space<hbm>> -> memref<128xi32, #tpu.memory_space<hbm>>
          tpu.enqueue_dma source(%dma_start3A_110 : memref<128xi32, #tpu.memory_space<hbm>>) target(%arg9 : memref<128xi32, #tpu.memory_space<vmem>>) target_semaphore(%arg15 : memref<!tpu.dma_semaphore, #tpu.memory_space<semaphore_mem>>)
        } else {
        }
        %dma_wait3A_85 = arith.constant 0 : i32
        %dma_wait3A_86 = arith.constant 0 : i32
        %dma_wait3A_87 = tpu.memref_slice %arg4[%dma_wait3A_85, %dma_wait3A_86] : memref<10000x128xf32, #tpu.memory_space<hbm>> -> memref<10000x128xf32, #tpu.memory_space<hbm>>
        tpu.wait_indirect_dma semaphore(%arg18 : memref<!tpu.dma_semaphore, #tpu.memory_space<semaphore_mem>>) src(%dma_wait3A_87 : memref<10000x128xf32, #tpu.memory_space<hbm>>) dst(%arg13 : memref<128x128xf32, #tpu.memory_space<vmem>>)
        "tpu.region"() ({
          %run_scoped3A = tpu.sem_alloc : memref<!tpu.dma_semaphore, #tpu.memory_space<semaphore_mem>>
          %dma_start3A_95 = arith.constant 0 : i32
          %dma_start3A_96 = arith.constant 0 : i32
          %dma_start3A_97 = tpu.memref_slice %arg14[%dma_start3A_95, %dma_start3A_96] : memref<10240x128xf32, #tpu.memory_space<vmem_shared>> -> memref<10240x128xf32, #tpu.memory_space<vmem_shared>>
          tpu.enqueue_indirect_dma source(%arg13 : memref<128x128xf32, #tpu.memory_space<vmem>>) target(%dma_start3A_97 : memref<10240x128xf32, #tpu.memory_space<vmem_shared>>) offsets(%arg11 : memref<128xi32, #tpu.memory_space<vmem>>) semaphore(%run_scoped3A : memref<!tpu.dma_semaphore, #tpu.memory_space<semaphore_mem>>) {add = true}
          %dma_wait3A_98 = arith.constant 0 : i32
          %dma_wait3A_99 = arith.constant 0 : i32
          %dma_wait3A_100 = tpu.memref_slice %arg14[%dma_wait3A_98, %dma_wait3A_99] : memref<10240x128xf32, #tpu.memory_space<vmem_shared>> -> memref<10240x128xf32, #tpu.memory_space<vmem_shared>>
          tpu.wait_indirect_dma semaphore(%run_scoped3A : memref<!tpu.dma_semaphore, #tpu.memory_space<semaphore_mem>>) src(%arg13 : memref<128x128xf32, #tpu.memory_space<vmem>>) dst(%dma_wait3A_100 : memref<10240x128xf32, #tpu.memory_space<vmem_shared>>)
          tpu.yield
        }) : () -> ()
        %add3A_88 = arith.constant 1 : i32
        %add3A_89 = arith.addi %scan3A_45, %add3A_88 : i32
        %lt3A_90 = arith.constant 80 : i32
        %lt3A_91 = arith.cmpi slt, %add3A_89, %lt3A_90 : i32
        %convert_element_type3A_92 = arith.extui %lt3A_91 : i1 to i32
        %cond3A_93 = arith.constant 0 : i32
        %cond3A_94 = arith.cmpi ne, %convert_element_type3A_92, %cond3A_93 : i32
        scf.if %cond3A_94 {
          %add3A_95 = arith.constant 3 : i32
          %add3A_96 = arith.addi %mul3A_47, %add3A_95 : i32
          %dma_start3A_97 = arith.constant 0 : i32
          %dma_start3A_98 = tpu.memref_slice %arg2[%arg1, %add3A_96, %dma_start3A_97] : memref<16x160x128xi32, #tpu.memory_space<hbm>> -> memref<1x1x128xi32, #tpu.memory_space<hbm>>
          %dma_start3A_99 = tpu.memref_squeeze %dma_start3A_98 : memref<1x1x128xi32, #tpu.memory_space<hbm>> -> memref<128xi32, #tpu.memory_space<hbm>>
          %dma_start3A_100 = arith.constant 0 : i32
          %dma_start3A_101 = tpu.memref_slice %arg2[%arg1, %add3A_96, %dma_start3A_100] : memref<16x160x128xi32, #tpu.memory_space<hbm>> -> memref<1x1x128xi32, #tpu.memory_space<hbm>>
          %dma_start3A_102 = tpu.memref_squeeze %dma_start3A_101 : memref<1x1x128xi32, #tpu.memory_space<hbm>> -> memref<128xi32, #tpu.memory_space<hbm>>
          tpu.enqueue_dma source(%dma_start3A_102 : memref<128xi32, #tpu.memory_space<hbm>>) target(%arg10 : memref<128xi32, #tpu.memory_space<vmem>>) target_semaphore(%arg16 : memref<!tpu.dma_semaphore, #tpu.memory_space<semaphore_mem>>)
          %add3A_103 = arith.constant 3 : i32
          %add3A_104 = arith.addi %mul3A_47, %add3A_103 : i32
          %dma_start3A_105 = arith.constant 0 : i32
          %dma_start3A_106 = tpu.memref_slice %arg3[%arg1, %add3A_104, %dma_start3A_105] : memref<16x160x128xi32, #tpu.memory_space<hbm>> -> memref<1x1x128xi32, #tpu.memory_space<hbm>>
          %dma_start3A_107 = tpu.memref_squeeze %dma_start3A_106 : memref<1x1x128xi32, #tpu.memory_space<hbm>> -> memref<128xi32, #tpu.memory_space<hbm>>
          %dma_start3A_108 = arith.constant 0 : i32
          %dma_start3A_109 = tpu.memref_slice %arg3[%arg1, %add3A_104, %dma_start3A_108] : memref<16x160x128xi32, #tpu.memory_space<hbm>> -> memref<1x1x128xi32, #tpu.memory_space<hbm>>
          %dma_start3A_110 = tpu.memref_squeeze %dma_start3A_109 : memref<1x1x128xi32, #tpu.memory_space<hbm>> -> memref<128xi32, #tpu.memory_space<hbm>>
          tpu.enqueue_dma source(%dma_start3A_110 : memref<128xi32, #tpu.memory_space<hbm>>) target(%arg11 : memref<128xi32, #tpu.memory_space<vmem>>) target_semaphore(%arg16 : memref<!tpu.dma_semaphore, #tpu.memory_space<semaphore_mem>>)
        } else {
        }
      }
      %scan3A_44 = arith.constant 80 : i32
    } else {
    }
    %eq3A_3 = arith.constant 1 : i32
    %eq3A_4 = arith.cmpi eq, %arg0, %eq3A_3 : i32
    %convert_element_type3A_5 = arith.extui %eq3A_4 : i1 to i32
    %cond3A_6 = arith.constant 0 : i32
    %cond3A_7 = arith.cmpi ne, %convert_element_type3A_5, %cond3A_6 : i32
    scf.if %cond3A_7 {
      %dma_start3A = arith.constant 0 : i32
      %dma_start3A_13 = arith.constant 0 : i32
      %dma_start3A_14 = tpu.memref_slice %arg2[%arg1, %dma_start3A, %dma_start3A_13] : memref<16x160x128xi32, #tpu.memory_space<hbm>> -> memref<1x1x128xi32, #tpu.memory_space<hbm>>
      %dma_start3A_15 = tpu.memref_squeeze %dma_start3A_14 : memref<1x1x128xi32, #tpu.memory_space<hbm>> -> memref<128xi32, #tpu.memory_space<hbm>>
      %dma_start3A_16 = arith.constant 0 : i32
      %dma_start3A_17 = tpu.memref_slice %arg2[%arg1, %dma_start3A, %dma_start3A_16] : memref<16x160x128xi32, #tpu.memory_space<hbm>> -> memref<1x1x128xi32, #tpu.memory_space<hbm>>
      %dma_start3A_18 = tpu.memref_squeeze %dma_start3A_17 : memref<1x1x128xi32, #tpu.memory_space<hbm>> -> memref<128xi32, #tpu.memory_space<hbm>>
      tpu.enqueue_dma source(%dma_start3A_18 : memref<128xi32, #tpu.memory_space<hbm>>) target(%arg8 : memref<128xi32, #tpu.memory_space<vmem>>) target_semaphore(%arg15 : memref<!tpu.dma_semaphore, #tpu.memory_space<semaphore_mem>>)
      %dma_start3A_19 = arith.constant 0 : i32
      %dma_start3A_20 = arith.constant 0 : i32
      %dma_start3A_21 = tpu.memref_slice %arg3[%arg1, %dma_start3A_19, %dma_start3A_20] : memref<16x160x128xi32, #tpu.memory_space<hbm>> -> memref<1x1x128xi32, #tpu.memory_space<hbm>>
      %dma_start3A_22 = tpu.memref_squeeze %dma_start3A_21 : memref<1x1x128xi32, #tpu.memory_space<hbm>> -> memref<128xi32, #tpu.memory_space<hbm>>
      %dma_start3A_23 = arith.constant 0 : i32
      %dma_start3A_24 = tpu.memref_slice %arg3[%arg1, %dma_start3A_19, %dma_start3A_23] : memref<16x160x128xi32, #tpu.memory_space<hbm>> -> memref<1x1x128xi32, #tpu.memory_space<hbm>>
      %dma_start3A_25 = tpu.memref_squeeze %dma_start3A_24 : memref<1x1x128xi32, #tpu.memory_space<hbm>> -> memref<128xi32, #tpu.memory_space<hbm>>
      tpu.enqueue_dma source(%dma_start3A_25 : memref<128xi32, #tpu.memory_space<hbm>>) target(%arg9 : memref<128xi32, #tpu.memory_space<vmem>>) target_semaphore(%arg15 : memref<!tpu.dma_semaphore, #tpu.memory_space<semaphore_mem>>)
      %dma_start3A_26 = arith.constant 1 : i32
      %dma_start3A_27 = arith.constant 0 : i32
      %dma_start3A_28 = tpu.memref_slice %arg2[%arg1, %dma_start3A_26, %dma_start3A_27] : memref<16x160x128xi32, #tpu.memory_space<hbm>> -> memref<1x1x128xi32, #tpu.memory_space<hbm>>
      %dma_start3A_29 = tpu.memref_squeeze %dma_start3A_28 : memref<1x1x128xi32, #tpu.memory_space<hbm>> -> memref<128xi32, #tpu.memory_space<hbm>>
      %dma_start3A_30 = arith.constant 0 : i32
      %dma_start3A_31 = tpu.memref_slice %arg2[%arg1, %dma_start3A_26, %dma_start3A_30] : memref<16x160x128xi32, #tpu.memory_space<hbm>> -> memref<1x1x128xi32, #tpu.memory_space<hbm>>
      %dma_start3A_32 = tpu.memref_squeeze %dma_start3A_31 : memref<1x1x128xi32, #tpu.memory_space<hbm>> -> memref<128xi32, #tpu.memory_space<hbm>>
      tpu.enqueue_dma source(%dma_start3A_32 : memref<128xi32, #tpu.memory_space<hbm>>) target(%arg10 : memref<128xi32, #tpu.memory_space<vmem>>) target_semaphore(%arg16 : memref<!tpu.dma_semaphore, #tpu.memory_space<semaphore_mem>>)
      %dma_start3A_33 = arith.constant 1 : i32
      %dma_start3A_34 = arith.constant 0 : i32
      %dma_start3A_35 = tpu.memref_slice %arg3[%arg1, %dma_start3A_33, %dma_start3A_34] : memref<16x160x128xi32, #tpu.memory_space<hbm>> -> memref<1x1x128xi32, #tpu.memory_space<hbm>>
      %dma_start3A_36 = tpu.memref_squeeze %dma_start3A_35 : memref<1x1x128xi32, #tpu.memory_space<hbm>> -> memref<128xi32, #tpu.memory_space<hbm>>
      %dma_start3A_37 = arith.constant 0 : i32
      %dma_start3A_38 = tpu.memref_slice %arg3[%arg1, %dma_start3A_33, %dma_start3A_37] : memref<16x160x128xi32, #tpu.memory_space<hbm>> -> memref<1x1x128xi32, #tpu.memory_space<hbm>>
      %dma_start3A_39 = tpu.memref_squeeze %dma_start3A_38 : memref<1x1x128xi32, #tpu.memory_space<hbm>> -> memref<128xi32, #tpu.memory_space<hbm>>
      tpu.enqueue_dma source(%dma_start3A_39 : memref<128xi32, #tpu.memory_space<hbm>>) target(%arg11 : memref<128xi32, #tpu.memory_space<vmem>>) target_semaphore(%arg16 : memref<!tpu.dma_semaphore, #tpu.memory_space<semaphore_mem>>)
      %scan3A = arith.constant 0 : i32
      %scan3A_40 = arith.constant 0 : i32
      %scan3A_41 = arith.constant 80 : i32
      %scan3A_42 = arith.addi %scan3A_40, %scan3A_41 : i32
      %scan3A_43 = arith.constant 1 : i32
      scf.for %scan3A_45 = %scan3A_40 to %scan3A_42 step %scan3A_43  : i32 {
        %mul3A_46 = arith.constant 2 : i32
        %mul3A_47 = arith.muli %mul3A_46, %scan3A_45 : i32
        %dma_wait3A = arith.constant 0 : i32
        %dma_wait3A_48 = tpu.memref_slice %arg2[%arg1, %mul3A_47, %dma_wait3A] : memref<16x160x128xi32, #tpu.memory_space<hbm>> -> memref<1x1x128xi32, #tpu.memory_space<hbm>>
        %dma_wait3A_49 = tpu.memref_squeeze %dma_wait3A_48 : memref<1x1x128xi32, #tpu.memory_space<hbm>> -> memref<128xi32, #tpu.memory_space<hbm>>
        %dma_wait3A_50 = arith.constant 0 : i32
        %dma_wait3A_51 = tpu.memref_slice %arg2[%arg1, %mul3A_47, %dma_wait3A_50] : memref<16x160x128xi32, #tpu.memory_space<hbm>> -> memref<1x1x128xi32, #tpu.memory_space<hbm>>
        %dma_wait3A_52 = tpu.memref_squeeze %dma_wait3A_51 : memref<1x1x128xi32, #tpu.memory_space<hbm>> -> memref<128xi32, #tpu.memory_space<hbm>>
        tpu.wait_dma2 semaphore(%arg15 : memref<!tpu.dma_semaphore, #tpu.memory_space<semaphore_mem>>) src(%dma_wait3A_52 : memref<128xi32, #tpu.memory_space<hbm>>) dst(%arg8 : memref<128xi32, #tpu.memory_space<vmem>>)
        %dma_wait3A_53 = arith.constant 0 : i32
        %dma_wait3A_54 = tpu.memref_slice %arg3[%arg1, %mul3A_47, %dma_wait3A_53] : memref<16x160x128xi32, #tpu.memory_space<hbm>> -> memref<1x1x128xi32, #tpu.memory_space<hbm>>
        %dma_wait3A_55 = tpu.memref_squeeze %dma_wait3A_54 : memref<1x1x128xi32, #tpu.memory_space<hbm>> -> memref<128xi32, #tpu.memory_space<hbm>>
        %dma_wait3A_56 = arith.constant 0 : i32
        %dma_wait3A_57 = tpu.memref_slice %arg3[%arg1, %mul3A_47, %dma_wait3A_56] : memref<16x160x128xi32, #tpu.memory_space<hbm>> -> memref<1x1x128xi32, #tpu.memory_space<hbm>>
        %dma_wait3A_58 = tpu.memref_squeeze %dma_wait3A_57 : memref<1x1x128xi32, #tpu.memory_space<hbm>> -> memref<128xi32, #tpu.memory_space<hbm>>
        tpu.wait_dma2 semaphore(%arg15 : memref<!tpu.dma_semaphore, #tpu.memory_space<semaphore_mem>>) src(%dma_wait3A_58 : memref<128xi32, #tpu.memory_space<hbm>>) dst(%arg9 : memref<128xi32, #tpu.memory_space<vmem>>)
        %dma_start3A_59 = arith.constant 0 : i32
        %dma_start3A_60 = arith.constant 0 : i32
        %dma_start3A_61 = tpu.memref_slice %arg5[%dma_start3A_59, %dma_start3A_60] : memref<10000x128xf32, #tpu.memory_space<hbm>> -> memref<10000x128xf32, #tpu.memory_space<hbm>>
        tpu.enqueue_indirect_dma source(%dma_start3A_61 : memref<10000x128xf32, #tpu.memory_space<hbm>>) target(%arg12 : memref<128x128xf32, #tpu.memory_space<vmem>>) offsets(%arg8 : memref<128xi32, #tpu.memory_space<vmem>>) semaphore(%arg17 : memref<!tpu.dma_semaphore, #tpu.memory_space<semaphore_mem>>)
        %dma_wait3A_62 = arith.constant 0 : i32
        %dma_wait3A_63 = tpu.memref_slice %arg2[%arg1, %mul3A_47, %dma_wait3A_62] : memref<16x160x128xi32, #tpu.memory_space<hbm>> -> memref<1x1x128xi32, #tpu.memory_space<hbm>>
        %dma_wait3A_64 = tpu.memref_squeeze %dma_wait3A_63 : memref<1x1x128xi32, #tpu.memory_space<hbm>> -> memref<128xi32, #tpu.memory_space<hbm>>
        %dma_wait3A_65 = arith.constant 0 : i32
        %dma_wait3A_66 = tpu.memref_slice %arg2[%arg1, %mul3A_47, %dma_wait3A_65] : memref<16x160x128xi32, #tpu.memory_space<hbm>> -> memref<1x1x128xi32, #tpu.memory_space<hbm>>
        %dma_wait3A_67 = tpu.memref_squeeze %dma_wait3A_66 : memref<1x1x128xi32, #tpu.memory_space<hbm>> -> memref<128xi32, #tpu.memory_space<hbm>>
        tpu.wait_dma2 semaphore(%arg16 : memref<!tpu.dma_semaphore, #tpu.memory_space<semaphore_mem>>) src(%dma_wait3A_67 : memref<128xi32, #tpu.memory_space<hbm>>) dst(%arg10 : memref<128xi32, #tpu.memory_space<vmem>>)
        %dma_wait3A_68 = arith.constant 0 : i32
        %dma_wait3A_69 = tpu.memref_slice %arg3[%arg1, %mul3A_47, %dma_wait3A_68] : memref<16x160x128xi32, #tpu.memory_space<hbm>> -> memref<1x1x128xi32, #tpu.memory_space<hbm>>
        %dma_wait3A_70 = tpu.memref_squeeze %dma_wait3A_69 : memref<1x1x128xi32, #tpu.memory_space<hbm>> -> memref<128xi32, #tpu.memory_space<hbm>>
        %dma_wait3A_71 = arith.constant 0 : i32
        %dma_wait3A_72 = tpu.memref_slice %arg3[%arg1, %mul3A_47, %dma_wait3A_71] : memref<16x160x128xi32, #tpu.memory_space<hbm>> -> memref<1x1x128xi32, #tpu.memory_space<hbm>>
        %dma_wait3A_73 = tpu.memref_squeeze %dma_wait3A_72 : memref<1x1x128xi32, #tpu.memory_space<hbm>> -> memref<128xi32, #tpu.memory_space<hbm>>
        tpu.wait_dma2 semaphore(%arg16 : memref<!tpu.dma_semaphore, #tpu.memory_space<semaphore_mem>>) src(%dma_wait3A_73 : memref<128xi32, #tpu.memory_space<hbm>>) dst(%arg11 : memref<128xi32, #tpu.memory_space<vmem>>)
        %dma_start3A_74 = arith.constant 0 : i32
        %dma_start3A_75 = arith.constant 0 : i32
        %dma_start3A_76 = tpu.memref_slice %arg5[%dma_start3A_74, %dma_start3A_75] : memref<10000x128xf32, #tpu.memory_space<hbm>> -> memref<10000x128xf32, #tpu.memory_space<hbm>>
        tpu.enqueue_indirect_dma source(%dma_start3A_76 : memref<10000x128xf32, #tpu.memory_space<hbm>>) target(%arg13 : memref<128x128xf32, #tpu.memory_space<vmem>>) offsets(%arg10 : memref<128xi32, #tpu.memory_space<vmem>>) semaphore(%arg18 : memref<!tpu.dma_semaphore, #tpu.memory_space<semaphore_mem>>)
        %dma_wait3A_77 = arith.constant 0 : i32
        %dma_wait3A_78 = arith.constant 0 : i32
        %dma_wait3A_79 = tpu.memref_slice %arg5[%dma_wait3A_77, %dma_wait3A_78] : memref<10000x128xf32, #tpu.memory_space<hbm>> -> memref<10000x128xf32, #tpu.memory_space<hbm>>
        tpu.wait_indirect_dma semaphore(%arg17 : memref<!tpu.dma_semaphore, #tpu.memory_space<semaphore_mem>>) src(%dma_wait3A_79 : memref<10000x128xf32, #tpu.memory_space<hbm>>) dst(%arg12 : memref<128x128xf32, #tpu.memory_space<vmem>>)
        "tpu.region"() ({
          %run_scoped3A = tpu.sem_alloc : memref<!tpu.dma_semaphore, #tpu.memory_space<semaphore_mem>>
          %dma_start3A_95 = arith.constant 0 : i32
          %dma_start3A_96 = arith.constant 0 : i32
          %dma_start3A_97 = tpu.memref_slice %arg14[%dma_start3A_95, %dma_start3A_96] : memref<10240x128xf32, #tpu.memory_space<vmem_shared>> -> memref<10240x128xf32, #tpu.memory_space<vmem_shared>>
          tpu.enqueue_indirect_dma source(%arg12 : memref<128x128xf32, #tpu.memory_space<vmem>>) target(%dma_start3A_97 : memref<10240x128xf32, #tpu.memory_space<vmem_shared>>) offsets(%arg9 : memref<128xi32, #tpu.memory_space<vmem>>) semaphore(%run_scoped3A : memref<!tpu.dma_semaphore, #tpu.memory_space<semaphore_mem>>) {add = true}
          %dma_wait3A_98 = arith.constant 0 : i32
          %dma_wait3A_99 = arith.constant 0 : i32
          %dma_wait3A_100 = tpu.memref_slice %arg14[%dma_wait3A_98, %dma_wait3A_99] : memref<10240x128xf32, #tpu.memory_space<vmem_shared>> -> memref<10240x128xf32, #tpu.memory_space<vmem_shared>>
          tpu.wait_indirect_dma semaphore(%run_scoped3A : memref<!tpu.dma_semaphore, #tpu.memory_space<semaphore_mem>>) src(%arg12 : memref<128x128xf32, #tpu.memory_space<vmem>>) dst(%dma_wait3A_100 : memref<10240x128xf32, #tpu.memory_space<vmem_shared>>)
          tpu.yield
        }) : () -> ()
        %add3A = arith.constant 1 : i32
        %add3A_80 = arith.addi %scan3A_45, %add3A : i32
        %lt3A = arith.constant 80 : i32
        %lt3A_81 = arith.cmpi slt, %add3A_80, %lt3A : i32
        %convert_element_type3A_82 = arith.extui %lt3A_81 : i1 to i32
        %cond3A_83 = arith.constant 0 : i32
        %cond3A_84 = arith.cmpi ne, %convert_element_type3A_82, %cond3A_83 : i32
        scf.if %cond3A_84 {
          %add3A_95 = arith.constant 2 : i32
          %add3A_96 = arith.addi %mul3A_47, %add3A_95 : i32
          %dma_start3A_97 = arith.constant 0 : i32
          %dma_start3A_98 = tpu.memref_slice %arg2[%arg1, %add3A_96, %dma_start3A_97] : memref<16x160x128xi32, #tpu.memory_space<hbm>> -> memref<1x1x128xi32, #tpu.memory_space<hbm>>
          %dma_start3A_99 = tpu.memref_squeeze %dma_start3A_98 : memref<1x1x128xi32, #tpu.memory_space<hbm>> -> memref<128xi32, #tpu.memory_space<hbm>>
          %dma_start3A_100 = arith.constant 0 : i32
          %dma_start3A_101 = tpu.memref_slice %arg2[%arg1, %add3A_96, %dma_start3A_100] : memref<16x160x128xi32, #tpu.memory_space<hbm>> -> memref<1x1x128xi32, #tpu.memory_space<hbm>>
          %dma_start3A_102 = tpu.memref_squeeze %dma_start3A_101 : memref<1x1x128xi32, #tpu.memory_space<hbm>> -> memref<128xi32, #tpu.memory_space<hbm>>
          tpu.enqueue_dma source(%dma_start3A_102 : memref<128xi32, #tpu.memory_space<hbm>>) target(%arg8 : memref<128xi32, #tpu.memory_space<vmem>>) target_semaphore(%arg15 : memref<!tpu.dma_semaphore, #tpu.memory_space<semaphore_mem>>)
          %add3A_103 = arith.constant 2 : i32
          %add3A_104 = arith.addi %mul3A_47, %add3A_103 : i32
          %dma_start3A_105 = arith.constant 0 : i32
          %dma_start3A_106 = tpu.memref_slice %arg3[%arg1, %add3A_104, %dma_start3A_105] : memref<16x160x128xi32, #tpu.memory_space<hbm>> -> memref<1x1x128xi32, #tpu.memory_space<hbm>>
          %dma_start3A_107 = tpu.memref_squeeze %dma_start3A_106 : memref<1x1x128xi32, #tpu.memory_space<hbm>> -> memref<128xi32, #tpu.memory_space<hbm>>
          %dma_start3A_108 = arith.constant 0 : i32
          %dma_start3A_109 = tpu.memref_slice %arg3[%arg1, %add3A_104, %dma_start3A_108] : memref<16x160x128xi32, #tpu.memory_space<hbm>> -> memref<1x1x128xi32, #tpu.memory_space<hbm>>
          %dma_start3A_110 = tpu.memref_squeeze %dma_start3A_109 : memref<1x1x128xi32, #tpu.memory_space<hbm>> -> memref<128xi32, #tpu.memory_space<hbm>>
          tpu.enqueue_dma source(%dma_start3A_110 : memref<128xi32, #tpu.memory_space<hbm>>) target(%arg9 : memref<128xi32, #tpu.memory_space<vmem>>) target_semaphore(%arg15 : memref<!tpu.dma_semaphore, #tpu.memory_space<semaphore_mem>>)
        } else {
        }
        %dma_wait3A_85 = arith.constant 0 : i32
        %dma_wait3A_86 = arith.constant 0 : i32
        %dma_wait3A_87 = tpu.memref_slice %arg5[%dma_wait3A_85, %dma_wait3A_86] : memref<10000x128xf32, #tpu.memory_space<hbm>> -> memref<10000x128xf32, #tpu.memory_space<hbm>>
        tpu.wait_indirect_dma semaphore(%arg18 : memref<!tpu.dma_semaphore, #tpu.memory_space<semaphore_mem>>) src(%dma_wait3A_87 : memref<10000x128xf32, #tpu.memory_space<hbm>>) dst(%arg13 : memref<128x128xf32, #tpu.memory_space<vmem>>)
        "tpu.region"() ({
          %run_scoped3A = tpu.sem_alloc : memref<!tpu.dma_semaphore, #tpu.memory_space<semaphore_mem>>
          %dma_start3A_95 = arith.constant 0 : i32
          %dma_start3A_96 = arith.constant 0 : i32
          %dma_start3A_97 = tpu.memref_slice %arg14[%dma_start3A_95, %dma_start3A_96] : memref<10240x128xf32, #tpu.memory_space<vmem_shared>> -> memref<10240x128xf32, #tpu.memory_space<vmem_shared>>
          tpu.enqueue_indirect_dma source(%arg13 : memref<128x128xf32, #tpu.memory_space<vmem>>) target(%dma_start3A_97 : memref<10240x128xf32, #tpu.memory_space<vmem_shared>>) offsets(%arg11 : memref<128xi32, #tpu.memory_space<vmem>>) semaphore(%run_scoped3A : memref<!tpu.dma_semaphore, #tpu.memory_space<semaphore_mem>>) {add = true}
          %dma_wait3A_98 = arith.constant 0 : i32
          %dma_wait3A_99 = arith.constant 0 : i32
          %dma_wait3A_100 = tpu.memref_slice %arg14[%dma_wait3A_98, %dma_wait3A_99] : memref<10240x128xf32, #tpu.memory_space<vmem_shared>> -> memref<10240x128xf32, #tpu.memory_space<vmem_shared>>
          tpu.wait_indirect_dma semaphore(%run_scoped3A : memref<!tpu.dma_semaphore, #tpu.memory_space<semaphore_mem>>) src(%arg13 : memref<128x128xf32, #tpu.memory_space<vmem>>) dst(%dma_wait3A_100 : memref<10240x128xf32, #tpu.memory_space<vmem_shared>>)
          tpu.yield
        }) : () -> ()
        %add3A_88 = arith.constant 1 : i32
        %add3A_89 = arith.addi %scan3A_45, %add3A_88 : i32
        %lt3A_90 = arith.constant 80 : i32
        %lt3A_91 = arith.cmpi slt, %add3A_89, %lt3A_90 : i32
        %convert_element_type3A_92 = arith.extui %lt3A_91 : i1 to i32
        %cond3A_93 = arith.constant 0 : i32
        %cond3A_94 = arith.cmpi ne, %convert_element_type3A_92, %cond3A_93 : i32
        scf.if %cond3A_94 {
          %add3A_95 = arith.constant 3 : i32
          %add3A_96 = arith.addi %mul3A_47, %add3A_95 : i32
          %dma_start3A_97 = arith.constant 0 : i32
          %dma_start3A_98 = tpu.memref_slice %arg2[%arg1, %add3A_96, %dma_start3A_97] : memref<16x160x128xi32, #tpu.memory_space<hbm>> -> memref<1x1x128xi32, #tpu.memory_space<hbm>>
          %dma_start3A_99 = tpu.memref_squeeze %dma_start3A_98 : memref<1x1x128xi32, #tpu.memory_space<hbm>> -> memref<128xi32, #tpu.memory_space<hbm>>
          %dma_start3A_100 = arith.constant 0 : i32
          %dma_start3A_101 = tpu.memref_slice %arg2[%arg1, %add3A_96, %dma_start3A_100] : memref<16x160x128xi32, #tpu.memory_space<hbm>> -> memref<1x1x128xi32, #tpu.memory_space<hbm>>
          %dma_start3A_102 = tpu.memref_squeeze %dma_start3A_101 : memref<1x1x128xi32, #tpu.memory_space<hbm>> -> memref<128xi32, #tpu.memory_space<hbm>>
          tpu.enqueue_dma source(%dma_start3A_102 : memref<128xi32, #tpu.memory_space<hbm>>) target(%arg10 : memref<128xi32, #tpu.memory_space<vmem>>) target_semaphore(%arg16 : memref<!tpu.dma_semaphore, #tpu.memory_space<semaphore_mem>>)
          %add3A_103 = arith.constant 3 : i32
          %add3A_104 = arith.addi %mul3A_47, %add3A_103 : i32
          %dma_start3A_105 = arith.constant 0 : i32
          %dma_start3A_106 = tpu.memref_slice %arg3[%arg1, %add3A_104, %dma_start3A_105] : memref<16x160x128xi32, #tpu.memory_space<hbm>> -> memref<1x1x128xi32, #tpu.memory_space<hbm>>
          %dma_start3A_107 = tpu.memref_squeeze %dma_start3A_106 : memref<1x1x128xi32, #tpu.memory_space<hbm>> -> memref<128xi32, #tpu.memory_space<hbm>>
          %dma_start3A_108 = arith.constant 0 : i32
          %dma_start3A_109 = tpu.memref_slice %arg3[%arg1, %add3A_104, %dma_start3A_108] : memref<16x160x128xi32, #tpu.memory_space<hbm>> -> memref<1x1x128xi32, #tpu.memory_space<hbm>>
          %dma_start3A_110 = tpu.memref_squeeze %dma_start3A_109 : memref<1x1x128xi32, #tpu.memory_space<hbm>> -> memref<128xi32, #tpu.memory_space<hbm>>
          tpu.enqueue_dma source(%dma_start3A_110 : memref<128xi32, #tpu.memory_space<hbm>>) target(%arg11 : memref<128xi32, #tpu.memory_space<vmem>>) target_semaphore(%arg16 : memref<!tpu.dma_semaphore, #tpu.memory_space<semaphore_mem>>)
        } else {
        }
      }
      %scan3A_44 = arith.constant 80 : i32
    } else {
    }
    %barrier3A_8 = arith.constant 0 : index
    tpu.barrier barrier_id(%barrier3A_8)
    %mul3A_9 = arith.constant 640 : i32
    %mul3A_10 = arith.muli %arg1, %mul3A_9 : i32
    %mul3A_11 = arith.constant 640 : i32
    %mul3A_12 = arith.muli %arg1, %mul3A_11 : i32
    "tpu.region"() ({
      %run_scoped3A = tpu.sem_alloc : memref<!tpu.dma_semaphore, #tpu.memory_space<semaphore_mem>>
      %dma_start3A = arith.constant 0 : i32
      %dma_start3A_13 = tpu.memref_slice %arg7[%arg0, %mul3A_12, %dma_start3A] : memref<2x10240x128xf32, #tpu.memory_space<hbm>> -> memref<1x640x128xf32, #tpu.memory_space<hbm>>
      %dma_start3A_14 = tpu.memref_squeeze %dma_start3A_13 : memref<1x640x128xf32, #tpu.memory_space<hbm>> -> memref<640x128xf32, #tpu.memory_space<hbm>>
      %dma_start3A_15 = arith.constant 0 : i32
      %dma_start3A_16 = tpu.memref_slice %arg14[%mul3A_10, %dma_start3A_15] : memref<10240x128xf32, #tpu.memory_space<vmem_shared>> -> memref<640x128xf32, #tpu.memory_space<vmem_shared>>
      tpu.enqueue_dma source(%dma_start3A_16 : memref<640x128xf32, #tpu.memory_space<vmem_shared>>) target(%dma_start3A_14 : memref<640x128xf32, #tpu.memory_space<hbm>>) target_semaphore(%run_scoped3A : memref<!tpu.dma_semaphore, #tpu.memory_space<semaphore_mem>>)
      %dma_wait3A = arith.constant 0 : i32
      %dma_wait3A_17 = tpu.memref_slice %arg7[%arg0, %mul3A_12, %dma_wait3A] : memref<2x10240x128xf32, #tpu.memory_space<hbm>> -> memref<1x640x128xf32, #tpu.memory_space<hbm>>
      %dma_wait3A_18 = tpu.memref_squeeze %dma_wait3A_17 : memref<1x640x128xf32, #tpu.memory_space<hbm>> -> memref<640x128xf32, #tpu.memory_space<hbm>>
      %dma_wait3A_19 = arith.constant 0 : i32
      %dma_wait3A_20 = tpu.memref_slice %arg14[%mul3A_10, %dma_wait3A_19] : memref<10240x128xf32, #tpu.memory_space<vmem_shared>> -> memref<640x128xf32, #tpu.memory_space<vmem_shared>>
      tpu.wait_dma2 semaphore(%run_scoped3A : memref<!tpu.dma_semaphore, #tpu.memory_space<semaphore_mem>>) src(%dma_wait3A_20 : memref<640x128xf32, #tpu.memory_space<vmem_shared>>) dst(%dma_wait3A_18 : memref<640x128xf32, #tpu.memory_space<hbm>>)
      tpu.yield
    }) : () -> ()
    return
  }
}

module attributes {stable_mosaic.version = 14 : i64} {
  func.func @body(%arg0: i32, %arg1: memref<1000x128xf32, #tpu.memory_space<vmem>>, %arg2: memref<128x256xf32, #tpu.memory_space<vmem>>, %arg3: memref<1000x1xf32, #tpu.memory_space<vmem>>, %arg4: memref<1000x1xf32, #tpu.memory_space<vmem>>, %arg5: memref<1000x128xf32, #tpu.memory_space<vmem>>, %arg6: memref<1000x128xf32, #tpu.memory_space<vmem>>, %arg7: memref<1000x1xf32, #tpu.memory_space<vmem>>) attributes {dimension_semantics = [#tpu.dimension_semantics<arbitrary>], iteration_bounds = array<i64: 10>, scalar_prefetch = 0 : i64, scratch_operands = 0 : i64, tpu.core_type = #tpu.core_type<tc>, window_params = [{transform_indices = @transform_0, window_bounds = array<i64: 1000, 128>}, {pipeline_mode = #tpu.pipeline_mode<synchronous>, transform_indices = @transform_1, window_bounds = array<i64: 128, 256>}, {transform_indices = @transform_2, window_bounds = array<i64: 1000, 1>}, {transform_indices = @transform_3, window_bounds = array<i64: 1000, 1>}, {transform_indices = @transform_4, window_bounds = array<i64: 1000, 128>}, {transform_indices = @transform_5, window_bounds = array<i64: 1000, 128>}, {transform_indices = @transform_6, window_bounds = array<i64: 1000, 1>}]} {
    %get3A = arith.constant 0 : index
    %get3A_0 = arith.constant 0 : index
    %get3A_1 = vector.load %arg1[%get3A, %get3A_0] : memref<1000x128xf32, #tpu.memory_space<vmem>>, vector<1000x128xf32>
    %get3A_2 = arith.constant 0 : index
    %get3A_3 = arith.constant 0 : index
    %get3A_4 = vector.load %arg2[%get3A_2, %get3A_3] : memref<128x256xf32, #tpu.memory_space<vmem>>, vector<128x256xf32>
    %dot_general3A = arith.constant dense<0.000000e+00> : vector<1000x256xf32>
    %dot_general3A_5 = tpu.matmul %get3A_1, %get3A_4, %dot_general3A {dimension_numbers = #tpu.dot_dimension_numbers<[1], [0], [0], [1], [0, 0, 1, 1], [], []>, transpose_lhs_hint = false} : vector<1000x128xf32>, vector<128x256xf32>, vector<1000x256xf32> -> vector<1000x256xf32>
    %get3A_6 = arith.constant 0 : index
    %get3A_7 = arith.constant 0 : index
    %get3A_8 = vector.load %arg3[%get3A_6, %get3A_7] : memref<1000x1xf32, #tpu.memory_space<vmem>>, vector<1000x1xf32>
    %get3A_9 = arith.constant 0 : index
    %get3A_10 = arith.constant 0 : index
    %get3A_11 = vector.load %arg4[%get3A_9, %get3A_10] : memref<1000x1xf32, #tpu.memory_space<vmem>>, vector<1000x1xf32>
    %add3A = arith.addf %get3A_8, %get3A_11 : vector<1000x1xf32>
    %add3A_12 = arith.constant 1.000000e+00 : f32
    %add3A_13 = vector.broadcast %add3A_12 : f32 to vector<1000x1xf32>
    %add3A_14 = arith.addf %add3A, %add3A_13 : vector<1000x1xf32>
    %rsqrt3A = math.rsqrt %add3A_14 : vector<1000x1xf32>
    %swap3A = arith.constant 0 : index
    %swap3A_15 = arith.constant 0 : index
    %swap3A_16 = vector.load %arg7[%swap3A, %swap3A_15] : memref<1000x1xf32, #tpu.memory_space<vmem>>, vector<1000x1xf32>
    tpu.vector_store %arg7[%swap3A, %swap3A_15], %rsqrt3A {strides = array<i32>} : memref<1000x1xf32, #tpu.memory_space<vmem>>, vector<1000x1xf32>,
    %mul3A = vector.broadcast %rsqrt3A : vector<1000x1xf32> to vector<1000x256xf32>
    %mul3A_17 = arith.mulf %dot_general3A_5, %mul3A : vector<1000x256xf32>
    %slice3A = vector.extract_strided_slice %mul3A_17 {offsets = [0, 0], sizes = [1000, 128], strides = [1, 1]} : vector<1000x256xf32> to vector<1000x128xf32>
    %swap3A_18 = arith.constant 0 : index
    %swap3A_19 = arith.constant 0 : index
    %swap3A_20 = vector.load %arg5[%swap3A_18, %swap3A_19] : memref<1000x128xf32, #tpu.memory_space<vmem>>, vector<1000x128xf32>
    tpu.vector_store %arg5[%swap3A_18, %swap3A_19], %slice3A {strides = array<i32>} : memref<1000x128xf32, #tpu.memory_space<vmem>>, vector<1000x128xf32>,
    %slice3A_21 = vector.extract_strided_slice %mul3A_17 {offsets = [0, 128], sizes = [1000, 128], strides = [1, 1]} : vector<1000x256xf32> to vector<1000x128xf32>
    %swap3A_22 = arith.constant 0 : index
    %swap3A_23 = arith.constant 0 : index
    %swap3A_24 = vector.load %arg6[%swap3A_22, %swap3A_23] : memref<1000x128xf32, #tpu.memory_space<vmem>>, vector<1000x128xf32>
    tpu.vector_store %arg6[%swap3A_22, %swap3A_23], %slice3A_21 {strides = array<i32>} : memref<1000x128xf32, #tpu.memory_space<vmem>>, vector<1000x128xf32>,
    return
  }
  func.func @transform_0(%arg0: i32) -> (i32, i32) {
    %c0_i32 = arith.constant 0 : i32
    %c0_i32_0 = arith.constant 0 : i32
    return %arg0, %c0_i32 : i32, i32
  }
  func.func @transform_1(%arg0: i32) -> (i32, i32) {
    %c0_i32 = arith.constant 0 : i32
    %c0_i32_0 = arith.constant 0 : i32
    %c0_i32_1 = arith.constant 0 : i32
    return %c0_i32, %c0_i32_0 : i32, i32
  }
  func.func @transform_2(%arg0: i32) -> (i32, i32) {
    %c0_i32 = arith.constant 0 : i32
    %c0_i32_0 = arith.constant 0 : i32
    return %arg0, %c0_i32 : i32, i32
  }
  func.func @transform_3(%arg0: i32) -> (i32, i32) {
    %c0_i32 = arith.constant 0 : i32
    %c0_i32_0 = arith.constant 0 : i32
    return %arg0, %c0_i32 : i32, i32
  }
  func.func @transform_4(%arg0: i32) -> (i32, i32) {
    %c0_i32 = arith.constant 0 : i32
    %c0_i32_0 = arith.constant 0 : i32
    return %arg0, %c0_i32 : i32, i32
  }
  func.func @transform_5(%arg0: i32) -> (i32, i32) {
    %c0_i32 = arith.constant 0 : i32
    %c0_i32_0 = arith.constant 0 : i32
    return %arg0, %c0_i32 : i32, i32
  }
  func.func @transform_6(%arg0: i32) -> (i32, i32) {
    %c0_i32 = arith.constant 0 : i32
    %c0_i32_0 = arith.constant 0 : i32
    return %arg0, %c0_i32 : i32, i32
  }
}

module attributes {stable_mosaic.version = 14 : i64} {
  func.func @body(%arg0: i32, %arg1: memref<1000x128xf32, #tpu.memory_space<vmem>>, %arg2: memref<1000x128xf32, #tpu.memory_space<vmem>>, %arg3: memref<1000x128xf32, #tpu.memory_space<vmem>>, %arg4: memref<1000x128xf32, #tpu.memory_space<vmem>>, %arg5: memref<1000x1xf32, #tpu.memory_space<vmem>>, %arg6: memref<1x256xf32, #tpu.memory_space<vmem>>, %arg7: memref<256x128xf32, #tpu.memory_space<vmem>>, %arg8: memref<256x128xf32, #tpu.memory_space<vmem>>, %arg9: memref<1000x128xf32, #tpu.memory_space<vmem>>, %arg10: memref<1000x128xf32, #tpu.memory_space<vmem>>) attributes {dimension_semantics = [#tpu.dimension_semantics<arbitrary>], iteration_bounds = array<i64: 10>, scalar_prefetch = 0 : i64, scratch_operands = 0 : i64, tpu.core_type = #tpu.core_type<tc>, window_params = [{transform_indices = @transform_0, window_bounds = array<i64: 1000, 128>}, {transform_indices = @transform_1, window_bounds = array<i64: 1000, 128>}, {transform_indices = @transform_2, window_bounds = array<i64: 1000, 128>}, {transform_indices = @transform_3, window_bounds = array<i64: 1000, 128>}, {transform_indices = @transform_4, window_bounds = array<i64: 1000, 1>}, {pipeline_mode = #tpu.pipeline_mode<synchronous>, transform_indices = @transform_5, window_bounds = array<i64: 1, 256>}, {pipeline_mode = #tpu.pipeline_mode<synchronous>, transform_indices = @transform_6, window_bounds = array<i64: 256, 128>}, {pipeline_mode = #tpu.pipeline_mode<synchronous>, transform_indices = @transform_7, window_bounds = array<i64: 256, 128>}, {transform_indices = @transform_8, window_bounds = array<i64: 1000, 128>}, {transform_indices = @transform_9, window_bounds = array<i64: 1000, 128>}]} {
    %get3A = arith.constant 0 : index
    %get3A_0 = arith.constant 0 : index
    %get3A_1 = vector.load %arg5[%get3A, %get3A_0] : memref<1000x1xf32, #tpu.memory_space<vmem>>, vector<1000x1xf32>
    %get3A_2 = arith.constant 0 : index
    %get3A_3 = arith.constant 0 : index
    %get3A_4 = vector.load %arg6[%get3A_2, %get3A_3] : memref<1x256xf32, #tpu.memory_space<vmem>>, vector<1x256xf32>
    %get3A_5 = arith.constant 0 : index
    %get3A_6 = arith.constant 0 : index
    %get3A_7 = vector.load %arg1[%get3A_5, %get3A_6] : memref<1000x128xf32, #tpu.memory_space<vmem>>, vector<1000x128xf32>
    %get3A_8 = arith.constant 0 : index
    %get3A_9 = arith.constant 0 : index
    %get3A_10 = vector.load %arg3[%get3A_8, %get3A_9] : memref<1000x128xf32, #tpu.memory_space<vmem>>, vector<1000x128xf32>
    %add3A = arith.addf %get3A_7, %get3A_10 : vector<1000x128xf32>
    %mul3A = vector.broadcast %get3A_1 : vector<1000x1xf32> to vector<1000x128xf32>
    %mul3A_11 = arith.mulf %mul3A, %add3A : vector<1000x128xf32>
    %slice3A = vector.extract_strided_slice %get3A_4 {offsets = [0, 0], sizes = [1, 128], strides = [1, 1]} : vector<1x256xf32> to vector<1x128xf32>
    %add3A_12 = vector.broadcast %slice3A : vector<1x128xf32> to vector<1000x128xf32>
    %add3A_13 = arith.addf %mul3A_11, %add3A_12 : vector<1000x128xf32>
    %max3A = arith.constant 0.000000e+00 : f32
    %max3A_14 = vector.broadcast %max3A : f32 to vector<1000x128xf32>
    %max3A_15 = arith.maximumf %add3A_13, %max3A_14 : vector<1000x128xf32>
    %get3A_16 = arith.constant 0 : index
    %get3A_17 = arith.constant 0 : index
    %get3A_18 = vector.load %arg2[%get3A_16, %get3A_17] : memref<1000x128xf32, #tpu.memory_space<vmem>>, vector<1000x128xf32>
    %get3A_19 = arith.constant 0 : index
    %get3A_20 = arith.constant 0 : index
    %get3A_21 = vector.load %arg4[%get3A_19, %get3A_20] : memref<1000x128xf32, #tpu.memory_space<vmem>>, vector<1000x128xf32>
    %add3A_22 = arith.addf %get3A_18, %get3A_21 : vector<1000x128xf32>
    %mul3A_23 = vector.broadcast %get3A_1 : vector<1000x1xf32> to vector<1000x128xf32>
    %mul3A_24 = arith.mulf %mul3A_23, %add3A_22 : vector<1000x128xf32>
    %slice3A_25 = vector.extract_strided_slice %get3A_4 {offsets = [0, 128], sizes = [1, 128], strides = [1, 1]} : vector<1x256xf32> to vector<1x128xf32>
    %add3A_26 = vector.broadcast %slice3A_25 : vector<1x128xf32> to vector<1000x128xf32>
    %add3A_27 = arith.addf %mul3A_24, %add3A_26 : vector<1000x128xf32>
    %max3A_28 = arith.constant 0.000000e+00 : f32
    %max3A_29 = vector.broadcast %max3A_28 : f32 to vector<1000x128xf32>
    %max3A_30 = arith.maximumf %add3A_27, %max3A_29 : vector<1000x128xf32>
    %concatenate3A = tpu.concatenate %max3A_15, %max3A_30 in 1 : vector<1000x128xf32>, vector<1000x128xf32> -> vector<1000x256xf32>
    %get3A_31 = arith.constant 0 : index
    %get3A_32 = arith.constant 0 : index
    %get3A_33 = vector.load %arg7[%get3A_31, %get3A_32] : memref<256x128xf32, #tpu.memory_space<vmem>>, vector<256x128xf32>
    %dot_general3A = arith.constant dense<0.000000e+00> : vector<1000x128xf32>
    %dot_general3A_34 = tpu.matmul %concatenate3A, %get3A_33, %dot_general3A {dimension_numbers = #tpu.dot_dimension_numbers<[1], [0], [0], [1], [0, 0, 1, 1], [], []>, transpose_lhs_hint = false} : vector<1000x256xf32>, vector<256x128xf32>, vector<1000x128xf32> -> vector<1000x128xf32>
    %mul3A_35 = vector.broadcast %get3A_1 : vector<1000x1xf32> to vector<1000x128xf32>
    %mul3A_36 = arith.mulf %mul3A_35, %dot_general3A_34 : vector<1000x128xf32>
    %swap3A = arith.constant 0 : index
    %swap3A_37 = arith.constant 0 : index
    %swap3A_38 = vector.load %arg9[%swap3A, %swap3A_37] : memref<1000x128xf32, #tpu.memory_space<vmem>>, vector<1000x128xf32>
    tpu.vector_store %arg9[%swap3A, %swap3A_37], %mul3A_36 {strides = array<i32>} : memref<1000x128xf32, #tpu.memory_space<vmem>>, vector<1000x128xf32>,
    %get3A_39 = arith.constant 0 : index
    %get3A_40 = arith.constant 0 : index
    %get3A_41 = vector.load %arg8[%get3A_39, %get3A_40] : memref<256x128xf32, #tpu.memory_space<vmem>>, vector<256x128xf32>
    %dot_general3A_42 = arith.constant dense<0.000000e+00> : vector<1000x128xf32>
    %dot_general3A_43 = tpu.matmul %concatenate3A, %get3A_41, %dot_general3A_42 {dimension_numbers = #tpu.dot_dimension_numbers<[1], [0], [0], [1], [0, 0, 1, 1], [], []>, transpose_lhs_hint = false} : vector<1000x256xf32>, vector<256x128xf32>, vector<1000x128xf32> -> vector<1000x128xf32>
    %mul3A_44 = vector.broadcast %get3A_1 : vector<1000x1xf32> to vector<1000x128xf32>
    %mul3A_45 = arith.mulf %mul3A_44, %dot_general3A_43 : vector<1000x128xf32>
    %swap3A_46 = arith.constant 0 : index
    %swap3A_47 = arith.constant 0 : index
    %swap3A_48 = vector.load %arg10[%swap3A_46, %swap3A_47] : memref<1000x128xf32, #tpu.memory_space<vmem>>, vector<1000x128xf32>
    tpu.vector_store %arg10[%swap3A_46, %swap3A_47], %mul3A_45 {strides = array<i32>} : memref<1000x128xf32, #tpu.memory_space<vmem>>, vector<1000x128xf32>,
    return
  }
  func.func @transform_0(%arg0: i32) -> (i32, i32) {
    %c0_i32 = arith.constant 0 : i32
    %c0_i32_0 = arith.constant 0 : i32
    return %arg0, %c0_i32 : i32, i32
  }
  func.func @transform_1(%arg0: i32) -> (i32, i32) {
    %c0_i32 = arith.constant 0 : i32
    %c0_i32_0 = arith.constant 0 : i32
    return %arg0, %c0_i32 : i32, i32
  }
  func.func @transform_2(%arg0: i32) -> (i32, i32) {
    %c0_i32 = arith.constant 0 : i32
    %c0_i32_0 = arith.constant 0 : i32
    return %arg0, %c0_i32 : i32, i32
  }
  func.func @transform_3(%arg0: i32) -> (i32, i32) {
    %c0_i32 = arith.constant 0 : i32
    %c0_i32_0 = arith.constant 0 : i32
    return %arg0, %c0_i32 : i32, i32
  }
  func.func @transform_4(%arg0: i32) -> (i32, i32) {
    %c0_i32 = arith.constant 0 : i32
    %c0_i32_0 = arith.constant 0 : i32
    return %arg0, %c0_i32 : i32, i32
  }
  func.func @transform_5(%arg0: i32) -> (i32, i32) {
    %c0_i32 = arith.constant 0 : i32
    %c0_i32_0 = arith.constant 0 : i32
    %c0_i32_1 = arith.constant 0 : i32
    return %c0_i32, %c0_i32_0 : i32, i32
  }
  func.func @transform_6(%arg0: i32) -> (i32, i32) {
    %c0_i32 = arith.constant 0 : i32
    %c0_i32_0 = arith.constant 0 : i32
    %c0_i32_1 = arith.constant 0 : i32
    return %c0_i32, %c0_i32_0 : i32, i32
  }
  func.func @transform_7(%arg0: i32) -> (i32, i32) {
    %c0_i32 = arith.constant 0 : i32
    %c0_i32_0 = arith.constant 0 : i32
    %c0_i32_1 = arith.constant 0 : i32
    return %c0_i32, %c0_i32_0 : i32, i32
  }
  func.func @transform_8(%arg0: i32) -> (i32, i32) {
    %c0_i32 = arith.constant 0 : i32
    %c0_i32_0 = arith.constant 0 : i32
    return %arg0, %c0_i32 : i32, i32
  }
  func.func @transform_9(%arg0: i32) -> (i32, i32) {
    %c0_i32 = arith.constant 0 : i32
    %c0_i32_0 = arith.constant 0 : i32
    return %arg0, %c0_i32 : i32, i32
  }
}

module attributes {stable_mosaic.version = 14 : i64} {
  func.func @body(%arg0: i32, %arg1: memref<1000x128xf32, #tpu.memory_space<vmem>>, %arg2: memref<1000x128xf32, #tpu.memory_space<vmem>>, %arg3: memref<1000x128xf32, #tpu.memory_space<vmem>>, %arg4: memref<1000x128xf32, #tpu.memory_space<vmem>>, %arg5: memref<1000x1xf32, #tpu.memory_space<vmem>>, %arg6: memref<1x128xf32, #tpu.memory_space<vmem>>, %arg7: memref<1x128xf32, #tpu.memory_space<vmem>>, %arg8: memref<1000x128xf32, #tpu.memory_space<vmem>>, %arg9: memref<1000x128xf32, #tpu.memory_space<vmem>>) attributes {dimension_semantics = [#tpu.dimension_semantics<arbitrary>], iteration_bounds = array<i64: 10>, scalar_prefetch = 0 : i64, scratch_operands = 0 : i64, tpu.core_type = #tpu.core_type<tc>, window_params = [{transform_indices = @transform_0, window_bounds = array<i64: 1000, 128>}, {transform_indices = @transform_1, window_bounds = array<i64: 1000, 128>}, {transform_indices = @transform_2, window_bounds = array<i64: 1000, 128>}, {transform_indices = @transform_3, window_bounds = array<i64: 1000, 128>}, {transform_indices = @transform_4, window_bounds = array<i64: 1000, 1>}, {pipeline_mode = #tpu.pipeline_mode<synchronous>, transform_indices = @transform_5, window_bounds = array<i64: 1, 128>}, {pipeline_mode = #tpu.pipeline_mode<synchronous>, transform_indices = @transform_6, window_bounds = array<i64: 1, 128>}, {transform_indices = @transform_7, window_bounds = array<i64: 1000, 128>}, {transform_indices = @transform_8, window_bounds = array<i64: 1000, 128>}]} {
    %get3A = arith.constant 0 : index
    %get3A_0 = arith.constant 0 : index
    %get3A_1 = vector.load %arg5[%get3A, %get3A_0] : memref<1000x1xf32, #tpu.memory_space<vmem>>, vector<1000x1xf32>
    %get3A_2 = arith.constant 0 : index
    %get3A_3 = arith.constant 0 : index
    %get3A_4 = vector.load %arg1[%get3A_2, %get3A_3] : memref<1000x128xf32, #tpu.memory_space<vmem>>, vector<1000x128xf32>
    %get3A_5 = arith.constant 0 : index
    %get3A_6 = arith.constant 0 : index
    %get3A_7 = vector.load %arg3[%get3A_5, %get3A_6] : memref<1000x128xf32, #tpu.memory_space<vmem>>, vector<1000x128xf32>
    %add3A = arith.addf %get3A_4, %get3A_7 : vector<1000x128xf32>
    %mul3A = vector.broadcast %get3A_1 : vector<1000x1xf32> to vector<1000x128xf32>
    %mul3A_8 = arith.mulf %mul3A, %add3A : vector<1000x128xf32>
    %get3A_9 = arith.constant 0 : index
    %get3A_10 = arith.constant 0 : index
    %get3A_11 = vector.load %arg6[%get3A_9, %get3A_10] : memref<1x128xf32, #tpu.memory_space<vmem>>, vector<1x128xf32>
    %add3A_12 = vector.broadcast %get3A_11 : vector<1x128xf32> to vector<1000x128xf32>
    %add3A_13 = arith.addf %mul3A_8, %add3A_12 : vector<1000x128xf32>
    %swap3A = arith.constant 0 : index
    %swap3A_14 = arith.constant 0 : index
    %swap3A_15 = vector.load %arg8[%swap3A, %swap3A_14] : memref<1000x128xf32, #tpu.memory_space<vmem>>, vector<1000x128xf32>
    tpu.vector_store %arg8[%swap3A, %swap3A_14], %add3A_13 {strides = array<i32>} : memref<1000x128xf32, #tpu.memory_space<vmem>>, vector<1000x128xf32>,
    %get3A_16 = arith.constant 0 : index
    %get3A_17 = arith.constant 0 : index
    %get3A_18 = vector.load %arg2[%get3A_16, %get3A_17] : memref<1000x128xf32, #tpu.memory_space<vmem>>, vector<1000x128xf32>
    %get3A_19 = arith.constant 0 : index
    %get3A_20 = arith.constant 0 : index
    %get3A_21 = vector.load %arg4[%get3A_19, %get3A_20] : memref<1000x128xf32, #tpu.memory_space<vmem>>, vector<1000x128xf32>
    %add3A_22 = arith.addf %get3A_18, %get3A_21 : vector<1000x128xf32>
    %mul3A_23 = vector.broadcast %get3A_1 : vector<1000x1xf32> to vector<1000x128xf32>
    %mul3A_24 = arith.mulf %mul3A_23, %add3A_22 : vector<1000x128xf32>
    %get3A_25 = arith.constant 0 : index
    %get3A_26 = arith.constant 0 : index
    %get3A_27 = vector.load %arg7[%get3A_25, %get3A_26] : memref<1x128xf32, #tpu.memory_space<vmem>>, vector<1x128xf32>
    %add3A_28 = vector.broadcast %get3A_27 : vector<1x128xf32> to vector<1000x128xf32>
    %add3A_29 = arith.addf %mul3A_24, %add3A_28 : vector<1000x128xf32>
    %swap3A_30 = arith.constant 0 : index
    %swap3A_31 = arith.constant 0 : index
    %swap3A_32 = vector.load %arg9[%swap3A_30, %swap3A_31] : memref<1000x128xf32, #tpu.memory_space<vmem>>, vector<1000x128xf32>
    tpu.vector_store %arg9[%swap3A_30, %swap3A_31], %add3A_29 {strides = array<i32>} : memref<1000x128xf32, #tpu.memory_space<vmem>>, vector<1000x128xf32>,
    return
  }
  func.func @transform_0(%arg0: i32) -> (i32, i32) {
    %c0_i32 = arith.constant 0 : i32
    %c0_i32_0 = arith.constant 0 : i32
    return %arg0, %c0_i32 : i32, i32
  }
  func.func @transform_1(%arg0: i32) -> (i32, i32) {
    %c0_i32 = arith.constant 0 : i32
    %c0_i32_0 = arith.constant 0 : i32
    return %arg0, %c0_i32 : i32, i32
  }
  func.func @transform_2(%arg0: i32) -> (i32, i32) {
    %c0_i32 = arith.constant 0 : i32
    %c0_i32_0 = arith.constant 0 : i32
    return %arg0, %c0_i32 : i32, i32
  }
  func.func @transform_3(%arg0: i32) -> (i32, i32) {
    %c0_i32 = arith.constant 0 : i32
    %c0_i32_0 = arith.constant 0 : i32
    return %arg0, %c0_i32 : i32, i32
  }
  func.func @transform_4(%arg0: i32) -> (i32, i32) {
    %c0_i32 = arith.constant 0 : i32
    %c0_i32_0 = arith.constant 0 : i32
    return %arg0, %c0_i32 : i32, i32
  }
  func.func @transform_5(%arg0: i32) -> (i32, i32) {
    %c0_i32 = arith.constant 0 : i32
    %c0_i32_0 = arith.constant 0 : i32
    %c0_i32_1 = arith.constant 0 : i32
    return %c0_i32, %c0_i32_0 : i32, i32
  }
  func.func @transform_6(%arg0: i32) -> (i32, i32) {
    %c0_i32 = arith.constant 0 : i32
    %c0_i32_0 = arith.constant 0 : i32
    %c0_i32_1 = arith.constant 0 : i32
    return %c0_i32, %c0_i32_0 : i32, i32
  }
  func.func @transform_7(%arg0: i32) -> (i32, i32) {
    %c0_i32 = arith.constant 0 : i32
    %c0_i32_0 = arith.constant 0 : i32
    return %arg0, %c0_i32 : i32, i32
  }
  func.func @transform_8(%arg0: i32) -> (i32, i32) {
    %c0_i32 = arith.constant 0 : i32
    %c0_i32_0 = arith.constant 0 : i32
    return %arg0, %c0_i32 : i32, i32
  }
}

</mosaic_0001>

<sc_bundles>
// kernel: kernel.11.cloned.1.call-start
scs
__scs_entry_jumppad:
0x0: {  	(pc) =	sbr.rel $0x88, $3  }
0x1: {  	(tag) =	ssettag $0x0;
	lr =	simm.s32 $0x1  }
0x2: {  	[smem:$0x3F99] =	sst lr;
	_ =	strace $0xD0000000  }
0x3: {  	_ = 	snop  }
0x4: {  	_ = 	snop  }
0x5: {  	_ = 	snop  }
0x6: {  	_ = 	snop  }
0x7: {  	_ = 	snop  }
__scs_overlays_trampoline_lowered:
0x8: {  	[smem:$0x3FA8] =	sst s0  }
0x9: {  	[smem:$0x3FA9] =	sst s1  }
0xa: {  	[smem:$0x3FAA] =	sst s2  }
0xb: {  	[smem:$0x3FAB] =	sst s3  }
0xc: {  	[smem:$0x3FAC] =	sst s4  }
0xd: {  	[smem:$0x3FAD] =	sst s5  }
0xe: {  	[smem:$0x3FAE] =	sst s6  }
0xf: {  	[smem:$0x3FAF] =	sst s7  }
0x10: {  	[smem:$0x3FB0] =	sst s8  }
0x11: {  	[smem:$0x3FB1] =	sst s9;
	s0 =	simm.s32 @!p0 $0x0  }
0x12: {  	s1 =	sld [smem:$0x3F97];
	s0 =	simm.s32 @p0 $0x1  }
0x13: {  	[smem:$0x3FB2] =	sst s0;
	s0 =	simm.s32 @!p1 $0x0  }
0x14: {  	s2 =	sld [smem:$0x3F96];
	s0 =	simm.s32 @p1 $0x1  }
0x15: {  	[smem:$0x3FB3] =	sst s0;
	s0 =	simm.s32 @!p2 $0x0  }
0x16: {  	s3 =	sld [smem:$0x3FDB];
	s0 =	simm.s32 @p2 $0x1  }
0x17: {  	s4 =	simm.s32 $0x1BF5;
	[smem:$0x3FB5] =	sst s0  }
0x18: {  	s0 =	sld [smem:$0x3F98];
	_ =	swait.ge [sflag:s4], $0x0  }
0x19: {  	s7 =	sld [smem:$0x3F99]  }
0x1a: {  	s8 =	sadd.s32 $0xFFFFE003, lr  }
0x1b: {  	s9 =	sadd.s32 $0xFFFFFEF7, lr;
	s5 =	simm.s32 $0xFFFFFFFF;
	p2 =	slt.u32 s8, $0xFFFFF086  }
0x1c: {  	p1 =	slt.u32 s9, $0xF7A;
	s5 =	simm.s32 @!p2 $0x0  }
0x1d: {  	s5 =	simm.s32 @p1 $0x1;
	p0 =	seq.s32 s7, s2  }
0x1e: {  	s7 =	smul.u32 @!p0 $0xF7A, s2;
	p2 =	seq.s32 @!p0 s5, $0x0  }
0x1f: {  	s9 =	smul.u32 $0xF7A, s1;
	s8 =	simm.s32 @!p0 $0x1BF5;
	p2 =	por !p2, p0  }
0x20: {  	[sflag:s8] =	ssyncset.s32 @!p0 $0xFFFFF086;
	s6 =	sadd.s32 @!p0 s3, s7;
	s7 =	simm.s32 @!p0 $0x108  }
0x21: {  	s3 =	sadd.s32 s3, s9;
	s6 =	sadd.s32 @!p0 $0x88, s6;
	s7 =	simm.s32 @p2 $0x1082  }
0x22: {  	[simem:s7], [sflag:s8] =	dma.local @!p0 [hbm:s6], $0xF7A  }
0x23: {  	s9 =	sor.u32 $0xD0000000, s2;
	s6 =	simm.s32 $0x108;
	_ =	swait.ge @!p0 [sflag:s8], $0x0  }
0x24: {  	s3 =	sadd.s32 $0x88, s3;
	s6 =	simm.s32 @!p1 $0x1082;
	[sflag:s4] =	ssyncset.s32 $0xFFFFF086  }
0x25: {  	[simem:s6], [sflag:s4] =	dma.local [hbm:s3], $0xF7A  }
0x26: {  	[smem:$0x3F99] =	sst s1;
	(tag) =	ssettag s2;
	_ =	strace s9  }
0x27: {  	s1 =	sld [smem:$0x3FA9]  }
0x28: {  	s2 =	sld [smem:$0x3FAA]  }
0x29: {  	s4 =	sld [smem:$0x3FAC]  }
0x2a: {  	p0 =	seq.s32 s5, $0x0;
	s5 =	sld [smem:$0x3FAD]  }
0x2b: {  	s6 =	sld [smem:$0x3FAE]  }
0x2c: {  	s7 =	sld [smem:$0x3FAF]  }
0x2d: {  	s3 =	simm.s32 $0x108;
	s8 =	sld [smem:$0x3FB0]  }
0x2e: {  	s3 =	simm.s32 @!p0 $0x1082;
	s9 =	sld [smem:$0x3FB1]  }
0x2f: {  	lr =	sadd.s32 s0, s3;
	s0 =	sld [smem:$0x3FA8]  }
0x30: {  	s3 =	sld [smem:$0x3FAB]  }
0x31: {  	[smem:$0x3FB4] =	sst s10  }
0x32: {  	s10 =	sld [smem:$0x3FB2];
	_ =	sdelay $0x3  }
0x33: {  	p0 =	seq.s32 s10, $0x1;
	s10 =	sld [smem:$0x3FB4];
	_ =	sdelay $0x3  }
0x34: {  	[smem:$0x3FB4] =	sst s10  }
0x35: {  	s10 =	sld [smem:$0x3FB3];
	_ =	sdelay $0x3  }
0x36: {  	p1 =	seq.s32 s10, $0x1;
	s10 =	sld [smem:$0x3FB4];
	_ =	sdelay $0x3  }
0x37: {  	[smem:$0x3FB4] =	sst s10  }
0x38: {  	s10 =	sld [smem:$0x3FB5]  }
0x39: {  	_ = 	snop;
	(pc) =	sbr.ind lr, $3  }
0x3a: {  	_ = 	snop  }
0x3b: {  	_ = 	snop  }
0x3c: {  	p2 =	seq.s32 s10, $0x1;
	s10 =	sld [smem:$0x3FB4]  }
0x3d: {  	_ =	shalt  }
0x3e: {  	_ =	shalt  }
0x3f: {  	_ =	shalt  }
0x40: {  	_ =	shalt  }
0x41: {  	_ =	shalt  }
0x42: {  	_ =	shalt  }
0x43: {  	_ =	shalt  }
0x44: {  	_ =	shalt  }
0x45: {  	_ =	shalt  }
0x46: {  	_ =	shalt  }
0x47: {  	_ =	shalt  }
0x48: {  	_ =	shalt  }
0x49: {  	_ =	shalt  }
0x4a: {  	_ =	shalt  }
0x4b: {  	_ =	shalt  }
0x4c: {  	_ =	shalt  }
0x4d: {  	_ =	shalt  }
0x4e: {  	_ =	shalt  }
0x4f: {  	_ =	shalt  }
0x50: {  	_ =	shalt  }
0x51: {  	_ =	shalt  }
0x52: {  	_ =	shalt  }
0x53: {  	_ =	shalt  }
0x54: {  	_ =	shalt  }
0x55: {  	_ =	shalt  }
0x56: {  	_ =	shalt  }
0x57: {  	_ =	shalt  }
0x58: {  	_ =	shalt  }
0x59: {  	_ =	shalt  }
0x5a: {  	_ =	shalt  }
0x5b: {  	_ =	shalt  }
0x5c: {  	_ =	shalt  }
0x5d: {  	_ =	shalt  }
0x5e: {  	_ =	shalt  }
0x5f: {  	_ =	shalt  }
0x60: {  	_ =	shalt  }
0x61: {  	_ =	shalt  }
0x62: {  	_ =	shalt  }
0x63: {  	_ =	shalt  }
0x64: {  	_ =	shalt  }
0x65: {  	_ =	shalt  }
0x66: {  	_ =	shalt  }
0x67: {  	_ =	shalt  }
0x68: {  	_ =	shalt  }
0x69: {  	_ =	shalt  }
0x6a: {  	_ =	shalt  }
0x6b: {  	_ =	shalt  }
0x6c: {  	_ =	shalt  }
0x6d: {  	_ =	shalt  }
0x6e: {  	_ =	shalt  }
0x6f: {  	_ =	shalt  }
0x70: {  	_ =	shalt  }
0x71: {  	_ =	shalt  }
0x72: {  	_ =	shalt  }
0x73: {  	_ =	shalt  }
0x74: {  	_ =	shalt  }
0x75: {  	_ =	shalt  }
0x76: {  	_ =	shalt  }
0x77: {  	_ =	shalt  }
0x78: {  	_ =	shalt  }
0x79: {  	_ =	shalt  }
0x7a: {  	_ =	shalt  }
0x7b: {  	_ =	shalt  }
0x7c: {  	_ =	shalt  }
0x7d: {  	_ =	shalt  }
0x7e: {  	_ =	shalt  }
0x7f: {  	_ =	shalt  }
0x80: {  	_ =	shalt  }
0x81: {  	_ =	shalt  }
0x82: {  	_ =	shalt  }
0x83: {  	_ =	shalt  }
0x84: {  	_ =	shalt  }
0x85: {  	_ =	shalt  }
0x86: {  	_ =	shalt  }
0x87: {  	_ =	shalt  }
.Lfunc_end0:
.L_simem_size_0:
called_computation.1_lowered:
.L_overlay_start_0:
0x88: {  	s2 =	sld [smem:$0x3FD9]  }
0x89: {  	s3 =	sld [smem:$0x3FFE];
	_ =	sdelay $0x1  }
0x8a: {  	s1 =	srdreg.scid  }
0x8b: {  	s0 =	sand.u32 $0x1, s1  }
0x8c: {  	s14 =	sshll.u32 s0, $0xA;
	s2 =	sadd.s32 s3, s2  }
0x8d: {  	s2 =	sadd.s32 s2, s14  }
0x8e: {  	[smem:$0x3FC0] =	sst s2  }
0x8f: {  	_ = 	snop  }
0x90: {  	s2 =	sld [smem:$0x3FD0];
	_ =	sdelay $0x2  }
0x91: {  	s15 =	simm.s32 $0xA;
	s4 =	simm.s32 $0x10  }
0x92: {  	[smem:s4], [sflag:s15] =	dma.local [hbm:s2], $0x1  }
0x93: {  	_ =	swait.eq [sflag:s15], $0x1  }
0x94: {  	[sflag:s15] =	ssyncset.done $0x0  }
0x95: {  	s16 =	sld [smem:$0x10];
	[sflag:s15] =	ssyncadd.s32 $0xFFFFFFFF  }
0x96: {  	s17 =	sld [smem:$0x11];
	(tm) =	ssettm $0x1  }
0x97: {  	s18 =	sld [smem:$0x3FFB];
	_ =	sdelay $0x3  }
0x98: {  	_ =	strace s18  }
0x99: {  	s4 =	sld [smem:$0x3FFC];
	_ =	sdelay $0x3  }
0x9a: {  	_ =	strace s4  }
0x9b: {  	s4 =	sld [smem:$0x3FFD];
	_ =	sdelay $0x3  }
0x9c: {  	_ =	strace s4  }
0x9d: {  	_ =	strace $0x8FFFFFFF  }
0x9e: {  	s19 =	sld [smem:$0x3FDB];
	_ =	sdelay $0x1  }
0x9f: {  	s5 =	simm.s32 $_scs_section_size  }
0xa0: {  	s6 =	simm.s32 $_size__tile_overlayer_lowered;
	s7 =	simm.s32 $_tile_overlayer_lowered  }
0xa1: {  	s22 =	simm.s32 $0x1BFF;
	s21 =	sshll.u32 s7, $0x1;
	s4 =	sadd.s32 s5, s19  }
0xa2: {  	s8 =	simm.s32 $0x0;
	s20 =	sshll.u32 s6, $0x1;
	s6 =	sadd.s32 s21, s4  }
0xa3: {  	[timem:s8], [sflag:s22] =	dma.local [hbm:s6], s20  }
0xa4: {  	_ =	swait.ge [sflag:s22], s20  }
0xa5: {  	s5 =	ssub.s32 $0x0, s20;
	[sflag:s22] =	ssyncset.done $0x0  }
0xa6: {  	[sflag:s22] =	ssyncadd.s32 s5;
	_ =	sdelay $0x1  }
0xa7: {  	s23 =	simm.s32 $0x1B8B  }
0xa8: {  	_ =	swait.ge [sflag:s23], $0x1  }
0xa9: {  	[sflag:s23] =	ssyncset.done $0x0  }
0xaa: {  	s25 =	simm.s32 $0x1B8E;
	s24 =	sld [smem:$0x3FFE];
	[sflag:s23] =	ssyncadd.s32 $0xFFFFFFFF  }
0xab: {  	s26 =	simm.s32 $execute0_lowered;
	[smem:$0x3FD2] =	sst s25  }
0xac: {  	s6 =	sshll.u32 s26, $0x1;
	_ =	strace $0x80000049;
	[dreg:$0x1] =	wrdreg $0xFFFFFFFF  }
0xad: {  	s28 =	simm.s32 $_size_execute0_lowered;
	s4 =	sadd.s32 s4, s6;
	[dreg:$0x0] =	wrdreg $0x0  }
0xae: {  	s6 =	sshll.u32 s28, $0x1;
	[dreg:$0x2] =	wrdreg s4  }
0xaf: {  	[dreg:$0x3] =	wrdreg s6  }
0xb0: {  	[dreg:$0x4] =	wrdreg $0xC0  }
0xb1: {  	_ =	task [dreg:s8], $0x5FFFF  }
0xb2: {  	[dreg:$0x1] =	wrdreg $0xFFFFFFFF  }
0xb3: {  	[dreg:$0x0] =	wrdreg $0x60  }
0xb4: {  	[dreg:$0x2] =	wrdreg s24  }
0xb5: {  	[dreg:$0x3] =	wrdreg s17  }
0xb6: {  	[dreg:$0x4] =	wrdreg s16  }
0xb7: {  	[dreg:$0x5] =	wrdreg $0x82000  }
0xb8: {  	[dreg:$0x6] =	wrdreg $0x9  }
0xb9: {  	_ =	task.clear_ibuf [dreg:s8], $0x7FFFF;
	_ =	strace $0x90000049  }
0xba: {  	s29 =	simm.s32 $0x9;
	_ =	strace $0x8000004B  }
0xbb: {  	_ =	swait.ge [sflag:s29], $0x1  }
0xbc: {  	[sflag:s29] =	ssyncadd.s32 $0xFFFFFFFF  }
0xbd: {  	_ =	strace $0x9000004B  }
0xbe: {  	_ =	sfence  }
0xbf: {  	s30 =	sld [smem:$0x0];
	_ =	sdelay $0x2  }
0xc0: {  	s31 =	sshll.u32 s1, $0xD;
	s1 =	sshrl.u32 s1, $0x2  }
0xc1: {  	s3 =	sand.u32 $0x4000, s31;
	s1 =	sadd.s32 s1, s30  }
0xc2: {  	s0 =	sor.u32 s3, s0;
	s1 =	sshll.u32 s1, $0x11  }
0xc3: {  	s0 =	sor.u32 s1, s0  }
0xc4: {  	s0 =	sadd.s32 $0x8F2B, s0  }
0xc5: {  	[sflag:s0] =	ssyncadd.remote.s32 $0x1  }
0xc6: {  	_ =	sfence.sel $0xFFFF  }
0xc7: {  	[dreg:$0x0] =	wrdreg $0xFFFFFFFF;
	(pc) =	sbr.abs _section_cstart, $3  }
0xc8: {  	[dreg:$0x1] =	wrdreg $0xFFFFFFFF  }
0xc9: {  	_ =	task.clear_ibuf [dreg:s8], $0x2FFFF;
	_ =	strace $0x9FFFFFFF  }
0xca: {  	(tm) =	ssettm $0x7FFFFFFF  }
0xcb: {  	_ =	shalt  }
tec
execute0_lowered:
.L_overlay_start_1:
0x0: {  	(tag) =	ssettag $0x1  }
0x1: {  	s10 =	rddreg [dreg:$0x0]  }
0x2: {  	s1 =	rddreg [dreg:$0x1]  }
0x3: {  	s2 =	rddreg [dreg:$0x2]  }
0x4: {  	s3 =	rddreg [dreg:$0x3]  }
0x5: {  	s5 =	simm.s32 $0x0;
	s4 =	srdreg.scid;
	s19 =	simm.s32 $0x80  }
0x6: {  	s20 =	simm.s32 $0x100;
	s21 =	simm.s32 $0x1;
	s22 =	simm.s32 $0x200  }
0x7: {  	s23 =	simm.s32 $0x2;
	s28 =	simm.s32 $0x180;
	s29 =	simm.s32 $0x0  }
0x8: {  	[smem:$0x7FF] =	sst s5;
	s11 =	sand.u32 $0x1, s4;
	s4 =	stileid.u32  }
0x9: {  	s6 =	sadd.s32 $0x3200, s10;
	s7 =	sadd.s32 $0xD200, s10;
	s9 =	smul.u32 $0x140000, s11  }
0xa: {  	s8 =	sadd.s32 $0x17200, s10;
	_ =	strace $0x8000004A;
	s12 =	smul.u32 $0x14000, s4  }
0xb: {  	s24 =	ssub.s32 $0x2, s11;
	s13 =	smul.u32 $0x50000, s4;
	s26 =	sshll.u32 s4, $0x6  }
0xc: {  	p0 =	seq.s32 s11, $0x1;
	s15 =	sshrl.u32 s24, $0x1;
	s9 =	sadd.s32 s12, s9  }
0xd: {  	s17 =	ssub.s32 s24, s15;
	s25 =	sshrl.u32 s13, $0x2;
	s24 =	simm.s32 $0x4200  }
0xe: {  	s14 =	sshrl.u32 s9, $0x3;
	s9 =	smul.u32 $0x5000, s4;
	s18 =	sadd.s32 s25, s3  }
.Ltmp0:
0xf: {  	s25 =	simm.s32 $0x3;
	s16 =	sadd.s32 s14, s10;
	(pc) =	sbr.rel .LBB2_1-.Ltmp0, $4  }
0x10: {  	s10 =	sor.u32 $0x1C05, s26;
	s26 =	simm.s32 $0x4;
	s30 =	sshrl.u32 s9, $0x3  }
0x11: {  	s15 =	sadd.s32 $0x40C00, s16;
	s16 =	smax.u32 s17, $0x1;
	s17 =	sshrl.u32 s18, $0x3  }
0x12: {  	s18 =	simm.s32 $0x5;
	s31 =	sor.u32 $0x10, s30;
	s11 =	sadd.s32 s6, s30  }
0x13: {  	s12 =	sadd.s32 s7, s30;
	s13 =	sadd.s32 s6, s31;
	s14 =	sadd.s32 s7, s31  }
.LBB2_6:
0x14: {  	_ =	swait.ge [sflag:s26], $0x4000  }
0x15: {  	[sflag:s26] =	ssyncset.done $0x0  }
0x16: {  	[sflag:s26] =	ssyncadd.s32 $0xFFFFC000  }
0x17: {  	[spmem:s3] =	stream.indirect.scatter.add.f32 [tilespmem:s24], [sflag:$0x5], $0x80, s28, s19, $0xb8;
	[tilespmem:$0x1C200] =	vst v63  }
0x18: {  	_ =	swait.ge [sflag:s18], $0x4000  }
0x19: {  	[sflag:s18] =	ssyncset.done $0x0  }
0x1a: {  	[sflag:s18] =	ssyncadd.s32 $0xFFFFC000  }
.LBB2_7:
0x1b: {  	s29 =	sadd.s32 $0x1, s29  }
0x1c: {  	p1 =	sne.s32 s29, s16  }
.Ltmp1:
0x1d: {  	[bflag:$0x0] =	sbarrier.arrive $0xFFFF;
	(pc) =	sbr.rel @!p1 .LBB2_8-.Ltmp1, $4  }
0x1e: {  	[hbm:s15], [sflag:s10] =	dma.local [spmem:s17], $0x2800  }
0x1f: {  	_ =	swait.ge [sflag:s18], $0x2800  }
0x20: {  	[sflag:s18] =	ssyncset.done $0x0  }
0x21: {  	[sflag:s18] =	ssyncadd.s32 $0xFFFFD800  }
.LBB2_1:
0x22: {  	[spmem:s17], [sflag:s10] =	dma.local [hbm:s8], $0x2800  }
0x23: {  	_ =	swait.ge [sflag:s18], $0x2800  }
0x24: {  	[sflag:s18] =	ssyncset.done $0x0  }
0x25: {  	[sflag:s18] =	ssyncadd.s32 $0xFFFFD800  }
0x26: {  	[bflag:$0x0] =	sbarrier.arrive $0xFFFF  }
0x27: {  	[tilespmem:s5], [sflag:$0x1] =	stream.linear.gather [hbm4b:s11+s5], $0x80, $0x38;
	[tilespmem:$0x1C200] =	vst v63  }
0x28: {  	_ = 	snop  }
0x29: {  	[tilespmem:s19], [sflag:$0x1] =	stream.linear.gather [hbm4b:s12+s5], $0x80, $0x38;
	[tilespmem:$0x1C200] =	vst v63  }
.Ltmp2:
0x2a: {  	_ = 	snop;
	(pc) =	sbr.rel @!p0 .LBB2_2-.Ltmp2, $4  }
0x2b: {  	_ = 	snop  }
0x2c: {  	[tilespmem:s20], [sflag:$0x2] =	stream.linear.gather [hbm4b:s13+s5], $0x80, $0x38;
	[tilespmem:$0x1C200] =	vst v63  }
0x2d: {  	s30 =	simm.s32 $0x180;
	s31 =	simm.s32 $0x180  }
0x2e: {  	[tilespmem:s28], [sflag:$0x2] =	stream.linear.gather [hbm4b:s14+s5], $0x80, $0x38;
	[tilespmem:$0x1C200] =	vst v63  }
.LBB2_4:
0x2f: {  	_ =	swait.ge [sflag:s21], $0x80  }
0x30: {  	[sflag:s21] =	ssyncset.done $0x0  }
0x31: {  	[sflag:s21] =	ssyncadd.s32 $0xFFFFFF80  }
0x32: {  	_ =	swait.ge [sflag:s21], $0x80  }
0x33: {  	[sflag:s21] =	ssyncset.done $0x0  }
0x34: {  	[sflag:s21] =	ssyncadd.s32 $0xFFFFFF80  }
0x35: {  	[tilespmem:s22], [sflag:$0x3] =	stream.indirect.gather [hbm4b:s2+s19], $0x80, s5, s19, $0xb8;
	[tilespmem:$0x1C200] =	vst v63  }
0x36: {  	_ =	swait.ge [sflag:s23], $0x80  }
0x37: {  	[sflag:s23] =	ssyncset.done $0x0  }
0x38: {  	[sflag:s23] =	ssyncadd.s32 $0xFFFFFF80  }
0x39: {  	_ =	swait.ge [sflag:s23], $0x80  }
0x3a: {  	[sflag:s23] =	ssyncset.done $0x0  }
0x3b: {  	[sflag:s23] =	ssyncadd.s32 $0xFFFFFF80  }
0x3c: {  	[tilespmem:s24], [sflag:$0x4] =	stream.indirect.gather [hbm4b:s2+s19], $0x80, s20, s19, $0xb8;
	[tilespmem:$0x1C200] =	vst v63  }
0x3d: {  	_ =	swait.ge [sflag:s25], $0x4000  }
0x3e: {  	p1 =	seq.s32 s31, $0x5080;
	[sflag:s25] =	ssyncset.done $0x0  }
.Ltmp3:
0x3f: {  	[sflag:s25] =	ssyncadd.s32 $0xFFFFC000;
	(pc) =	sbr.rel @p1 .LBB2_6-.Ltmp3, $4  }
0x40: {  	[spmem:s3] =	stream.indirect.scatter.add.f32 [tilespmem:s22], [sflag:$0x5], $0x80, s19, s19, $0xb8;
	[tilespmem:$0x1C200] =	vst v63  }
0x41: {  	_ =	swait.ge [sflag:s18], $0x4000  }
0x42: {  	[sflag:s18] =	ssyncset.done $0x0  }
0x43: {  	[sflag:s18] =	ssyncadd.s32 $0xFFFFC000  }
0x44: {  	s0 =	sadd.s32 $0xFFFFFF80, s31  }
0x45: {  	s30 =	sand.u32 $0xFC00, s0  }
0x46: {  	s0 =	sand.u32 $0x300, s0;
	s30 =	sadd.s32 s9, s30  }
0x47: {  	s0 =	sor.u32 s0, s30  }
0x48: {  	s0 =	sshrl.u32 s0, $0x3  }
0x49: {  	s30 =	sadd.s32 s6, s0  }
0x4a: {  	[tilespmem:s5], [sflag:$0x1] =	stream.linear.gather [hbm4b:s30+s5], $0x80, $0x38;
	[tilespmem:$0x1C200] =	vst v63  }
0x4b: {  	s0 =	sadd.s32 s7, s0  }
0x4c: {  	[tilespmem:s19], [sflag:$0x1] =	stream.linear.gather [hbm4b:s0+s5], $0x80, $0x38;
	[tilespmem:$0x1C200] =	vst v63  }
0x4d: {  	s30 =	sand.u32 $0xFC00, s31;
	_ =	swait.ge [sflag:s26], $0x4000  }
0x4e: {  	s0 =	sadd.s32 s9, s30;
	[sflag:s26] =	ssyncset.done $0x0  }
0x4f: {  	s30 =	sand.u32 $0x380, s31;
	s31 =	sadd.s32 $0x100, s31;
	[sflag:s26] =	ssyncadd.s32 $0xFFFFC000  }
0x50: {  	[spmem:s3] =	stream.indirect.scatter.add.f32 [tilespmem:s24], [sflag:$0x5], $0x80, s28, s19, $0xb8;
	[tilespmem:$0x1C200] =	vst v63  }
0x51: {  	s0 =	sor.u32 s30, s0;
	p1 =	seq.s32 s31, $0x5180;
	_ =	swait.ge [sflag:s18], $0x4000  }
.Ltmp4:
0x52: {  	s0 =	sshrl.u32 s0, $0x3;
	[sflag:s18] =	ssyncset.done $0x0;
	(pc) =	sbr.rel @!p1 .LBB2_4-.Ltmp4, $4  }
.Ltmp5:
0x53: {  	s30 =	sadd.s32 s6, s0;
	[sflag:s18] =	ssyncadd.s32 $0xFFFFC000;
	(pc) =	sbr.rel @p1 .LBB2_7-.Ltmp5, $4  }
0x54: {  	[tilespmem:s20], [sflag:$0x2] =	stream.linear.gather [hbm4b:s30+s5], $0x80, $0x38;
	[tilespmem:$0x1C200] =	vst v63  }
0x55: {  	s0 =	sadd.s32 s7, s0  }
0x56: {  	[tilespmem:s28], [sflag:$0x2] =	stream.linear.gather [hbm4b:s0+s5], $0x80, $0x38;
	[tilespmem:$0x1C200] =	vst v63  }
0x57: {  	_ = 	snop  }
.LBB2_2:
0x58: {  	_ =	swait.ge [sflag:s21], $0x80  }
0x59: {  	[sflag:s21] =	ssyncset.done $0x0  }
0x5a: {  	[sflag:s21] =	ssyncadd.s32 $0xFFFFFF80  }
0x5b: {  	_ =	swait.ge [sflag:s21], $0x80  }
0x5c: {  	[sflag:s21] =	ssyncset.done $0x0  }
0x5d: {  	[sflag:s21] =	ssyncadd.s32 $0xFFFFFF80  }
0x5e: {  	[tilespmem:s22], [sflag:$0x3] =	stream.indirect.gather [hbm4b:s1+s19], $0x80, s5, s19, $0xb8;
	[tilespmem:$0x1C200] =	vst v63  }
0x5f: {  	_ =	swait.ge [sflag:s23], $0x80  }
0x60: {  	[sflag:s23] =	ssyncset.done $0x0  }
0x61: {  	[sflag:s23] =	ssyncadd.s32 $0xFFFFFF80  }
0x62: {  	_ =	swait.ge [sflag:s23], $0x80  }
0x63: {  	[sflag:s23] =	ssyncset.done $0x0  }
0x64: {  	[sflag:s23] =	ssyncadd.s32 $0xFFFFFF80  }
0x65: {  	[tilespmem:s24], [sflag:$0x4] =	stream.indirect.gather [hbm4b:s1+s19], $0x80, s20, s19, $0xb8;
	[tilespmem:$0x1C200] =	vst v63  }
0x66: {  	_ =	swait.ge [sflag:s25], $0x4000  }
0x67: {  	p1 =	seq.s32 s30, $0x5080;
	[sflag:s25] =	ssyncset.done $0x0  }
.Ltmp6:
0x68: {  	[sflag:s25] =	ssyncadd.s32 $0xFFFFC000;
	(pc) =	sbr.rel @p1 .LBB2_6-.Ltmp6, $4  }
0x69: {  	[spmem:s3] =	stream.indirect.scatter.add.f32 [tilespmem:s22], [sflag:$0x5], $0x80, s19, s19, $0xb8;
	[tilespmem:$0x1C200] =	vst v63  }
0x6a: {  	_ =	swait.ge [sflag:s18], $0x4000  }
0x6b: {  	[sflag:s18] =	ssyncset.done $0x0  }
0x6c: {  	[sflag:s18] =	ssyncadd.s32 $0xFFFFC000  }
0x6d: {  	s31 =	sadd.s32 $0xFFFFFF80, s30  }
0x6e: {  	s0 =	sand.u32 $0xFC00, s31  }
0x6f: {  	s31 =	sand.u32 $0x300, s31;
	s0 =	sadd.s32 s9, s0  }
0x70: {  	s0 =	sor.u32 s31, s0  }
0x71: {  	s0 =	sshrl.u32 s0, $0x3  }
0x72: {  	s31 =	sadd.s32 s6, s0  }
0x73: {  	[tilespmem:s5], [sflag:$0x1] =	stream.linear.gather [hbm4b:s31+s5], $0x80, $0x38;
	[tilespmem:$0x1C200] =	vst v63  }
0x74: {  	s0 =	sadd.s32 s7, s0  }
0x75: {  	[tilespmem:s19], [sflag:$0x1] =	stream.linear.gather [hbm4b:s0+s5], $0x80, $0x38;
	[tilespmem:$0x1C200] =	vst v63  }
0x76: {  	s31 =	sand.u32 $0xFC00, s30;
	_ =	swait.ge [sflag:s26], $0x4000  }
0x77: {  	s0 =	sadd.s32 s9, s31;
	[sflag:s26] =	ssyncset.done $0x0  }
0x78: {  	s31 =	sand.u32 $0x380, s30;
	s30 =	sadd.s32 $0x100, s30;
	[sflag:s26] =	ssyncadd.s32 $0xFFFFC000  }
0x79: {  	[spmem:s3] =	stream.indirect.scatter.add.f32 [tilespmem:s24], [sflag:$0x5], $0x80, s28, s19, $0xb8;
	[tilespmem:$0x1C200] =	vst v63  }
0x7a: {  	s0 =	sor.u32 s31, s0;
	p1 =	seq.s32 s30, $0x5180;
	_ =	swait.ge [sflag:s18], $0x4000  }
.Ltmp7:
0x7b: {  	s0 =	sshrl.u32 s0, $0x3;
	[sflag:s18] =	ssyncset.done $0x0;
	(pc) =	sbr.rel @!p1 .LBB2_2-.Ltmp7, $4  }
.Ltmp8:
0x7c: {  	s31 =	sadd.s32 s6, s0;
	[sflag:s18] =	ssyncadd.s32 $0xFFFFC000;
	(pc) =	sbr.rel @p1 .LBB2_7-.Ltmp8, $4  }
0x7d: {  	[tilespmem:s20], [sflag:$0x2] =	stream.linear.gather [hbm4b:s31+s5], $0x80, $0x38;
	[tilespmem:$0x1C200] =	vst v63  }
0x7e: {  	s0 =	sadd.s32 s7, s0  }
0x7f: {  	[tilespmem:s28], [sflag:$0x2] =	stream.linear.gather [hbm4b:s0+s5], $0x80, $0x38;
	[tilespmem:$0x1C200] =	vst v63  }
0x80: {  	_ = 	snop  }
.LBB2_8:
0x81: {  	_ =	sfence.sel $0x180000  }
0x82: {  	[bflag:$0x0] =	sbarrier.arrive $0xFFFF  }
0x83: {  	_ =	strace $0x9000004A  }
0x84: {  	[bflag:$0x2] =	sbarrier.arrive $0xFFFF  }
0x85: {  	p0 =	sne.s32 s4, $0x0;
	s0 =	rddreg [dreg:$0x4]  }
0x86: {  	s0 =	sadd.s32 @!p0 $0x100000, s0  }
0x87: {  	[sflag:s0] =	ssyncadd.tile.s32 @!p0 $0x1;
	_ =	shalt  }
.Lfunc_end2:
_tile_overlayer_lowered:
.L_overlay_start_2:
0x88: {  	(tag) =	ssettag $0x2  }
0x89: {  	s0 =	rddreg [dreg:$0x0];
	s2 =	stileid.u32  }
0x8a: {  	s1 =	rddreg [dreg:$0x1];
	p0 =	sne.s32 s2, $0x0  }
0x8b: {  	s3 =	rddreg [dreg:$0x2];
	[bflag:$0x3] =	sbarrier.arrive $0xFFFF;
	s2 =	simm.s32 @!p0 $0x1C05  }
0x8c: {  	[timem:s3], [sflag:s2] =	dma.local @!p0 [hbm:s0], s1  }
0x8d: {  	s0 =	simm.s32 @!p0 $0x5  }
0x8e: {  	_ =	swait.ge @!p0 [sflag:s0], s1  }
0x8f: {  	s1 =	ssub.s32 @!p0 $0x0, s1;
	[sflag:s0] =	ssyncset.done @!p0 $0x0  }
0x90: {  	[sflag:s0] =	ssyncadd.s32 @!p0 s1  }
0x91: {  	[bflag:$0x3] =	sbarrier.arrive $0xFFFF  }
0x92: {  	_ =	shalt  }

// kernel: kernel.14.cloned.1.call-start
scs
__scs_entry_jumppad:
0x0: {  	(pc) =	sbr.rel $0x88, $3  }
0x1: {  	(tag) =	ssettag $0x0;
	lr =	simm.s32 $0x1  }
0x2: {  	[smem:$0x3F99] =	sst lr;
	_ =	strace $0xD0000000  }
0x3: {  	_ = 	snop  }
0x4: {  	_ = 	snop  }
0x5: {  	_ = 	snop  }
0x6: {  	_ = 	snop  }
0x7: {  	_ = 	snop  }
__scs_overlays_trampoline_lowered:
0x8: {  	[smem:$0x3FA8] =	sst s0  }
0x9: {  	[smem:$0x3FA9] =	sst s1  }
0xa: {  	[smem:$0x3FAA] =	sst s2  }
0xb: {  	[smem:$0x3FAB] =	sst s3  }
0xc: {  	[smem:$0x3FAC] =	sst s4  }
0xd: {  	[smem:$0x3FAD] =	sst s5  }
0xe: {  	[smem:$0x3FAE] =	sst s6  }
0xf: {  	[smem:$0x3FAF] =	sst s7  }
0x10: {  	[smem:$0x3FB0] =	sst s8  }
0x11: {  	[smem:$0x3FB1] =	sst s9;
	s0 =	simm.s32 @!p0 $0x0  }
0x12: {  	s1 =	sld [smem:$0x3F97];
	s0 =	simm.s32 @p0 $0x1  }
0x13: {  	[smem:$0x3FB2] =	sst s0;
	s0 =	simm.s32 @!p1 $0x0  }
0x14: {  	s2 =	sld [smem:$0x3F96];
	s0 =	simm.s32 @p1 $0x1  }
0x15: {  	[smem:$0x3FB3] =	sst s0;
	s0 =	simm.s32 @!p2 $0x0  }
0x16: {  	s3 =	sld [smem:$0x3FDB];
	s0 =	simm.s32 @p2 $0x1  }
0x17: {  	s4 =	simm.s32 $0x1BF5;
	[smem:$0x3FB5] =	sst s0  }
0x18: {  	s0 =	sld [smem:$0x3F98];
	_ =	swait.ge [sflag:s4], $0x0  }
0x19: {  	s7 =	sld [smem:$0x3F99]  }
0x1a: {  	s8 =	sadd.s32 $0xFFFFE003, lr  }
0x1b: {  	s9 =	sadd.s32 $0xFFFFFEF7, lr;
	s5 =	simm.s32 $0xFFFFFFFF;
	p2 =	slt.u32 s8, $0xFFFFF086  }
0x1c: {  	p1 =	slt.u32 s9, $0xF7A;
	s5 =	simm.s32 @!p2 $0x0  }
0x1d: {  	s5 =	simm.s32 @p1 $0x1;
	p0 =	seq.s32 s7, s2  }
0x1e: {  	s7 =	smul.u32 @!p0 $0xF7A, s2;
	p2 =	seq.s32 @!p0 s5, $0x0  }
0x1f: {  	s9 =	smul.u32 $0xF7A, s1;
	s8 =	simm.s32 @!p0 $0x1BF5;
	p2 =	por !p2, p0  }
0x20: {  	[sflag:s8] =	ssyncset.s32 @!p0 $0xFFFFF086;
	s6 =	sadd.s32 @!p0 s3, s7;
	s7 =	simm.s32 @!p0 $0x108  }
0x21: {  	s3 =	sadd.s32 s3, s9;
	s6 =	sadd.s32 @!p0 $0x88, s6;
	s7 =	simm.s32 @p2 $0x1082  }
0x22: {  	[simem:s7], [sflag:s8] =	dma.local @!p0 [hbm:s6], $0xF7A  }
0x23: {  	s9 =	sor.u32 $0xD0000000, s2;
	s6 =	simm.s32 $0x108;
	_ =	swait.ge @!p0 [sflag:s8], $0x0  }
0x24: {  	s3 =	sadd.s32 $0x88, s3;
	s6 =	simm.s32 @!p1 $0x1082;
	[sflag:s4] =	ssyncset.s32 $0xFFFFF086  }
0x25: {  	[simem:s6], [sflag:s4] =	dma.local [hbm:s3], $0xF7A  }
0x26: {  	[smem:$0x3F99] =	sst s1;
	(tag) =	ssettag s2;
	_ =	strace s9  }
0x27: {  	s1 =	sld [smem:$0x3FA9]  }
0x28: {  	s2 =	sld [smem:$0x3FAA]  }
0x29: {  	s4 =	sld [smem:$0x3FAC]  }
0x2a: {  	p0 =	seq.s32 s5, $0x0;
	s5 =	sld [smem:$0x3FAD]  }
0x2b: {  	s6 =	sld [smem:$0x3FAE]  }
0x2c: {  	s7 =	sld [smem:$0x3FAF]  }
0x2d: {  	s3 =	simm.s32 $0x108;
	s8 =	sld [smem:$0x3FB0]  }
0x2e: {  	s3 =	simm.s32 @!p0 $0x1082;
	s9 =	sld [smem:$0x3FB1]  }
0x2f: {  	lr =	sadd.s32 s0, s3;
	s0 =	sld [smem:$0x3FA8]  }
0x30: {  	s3 =	sld [smem:$0x3FAB]  }
0x31: {  	[smem:$0x3FB4] =	sst s10  }
0x32: {  	s10 =	sld [smem:$0x3FB2];
	_ =	sdelay $0x3  }
0x33: {  	p0 =	seq.s32 s10, $0x1;
	s10 =	sld [smem:$0x3FB4];
	_ =	sdelay $0x3  }
0x34: {  	[smem:$0x3FB4] =	sst s10  }
0x35: {  	s10 =	sld [smem:$0x3FB3];
	_ =	sdelay $0x3  }
0x36: {  	p1 =	seq.s32 s10, $0x1;
	s10 =	sld [smem:$0x3FB4];
	_ =	sdelay $0x3  }
0x37: {  	[smem:$0x3FB4] =	sst s10  }
0x38: {  	s10 =	sld [smem:$0x3FB5]  }
0x39: {  	_ = 	snop;
	(pc) =	sbr.ind lr, $3  }
0x3a: {  	_ = 	snop  }
0x3b: {  	_ = 	snop  }
0x3c: {  	p2 =	seq.s32 s10, $0x1;
	s10 =	sld [smem:$0x3FB4]  }
0x3d: {  	_ =	shalt  }
0x3e: {  	_ =	shalt  }
0x3f: {  	_ =	shalt  }
0x40: {  	_ =	shalt  }
0x41: {  	_ =	shalt  }
0x42: {  	_ =	shalt  }
0x43: {  	_ =	shalt  }
0x44: {  	_ =	shalt  }
0x45: {  	_ =	shalt  }
0x46: {  	_ =	shalt  }
0x47: {  	_ =	shalt  }
0x48: {  	_ =	shalt  }
0x49: {  	_ =	shalt  }
0x4a: {  	_ =	shalt  }
0x4b: {  	_ =	shalt  }
0x4c: {  	_ =	shalt  }
0x4d: {  	_ =	shalt  }
0x4e: {  	_ =	shalt  }
0x4f: {  	_ =	shalt  }
0x50: {  	_ =	shalt  }
0x51: {  	_ =	shalt  }
0x52: {  	_ =	shalt  }
0x53: {  	_ =	shalt  }
0x54: {  	_ =	shalt  }
0x55: {  	_ =	shalt  }
0x56: {  	_ =	shalt  }
0x57: {  	_ =	shalt  }
0x58: {  	_ =	shalt  }
0x59: {  	_ =	shalt  }
0x5a: {  	_ =	shalt  }
0x5b: {  	_ =	shalt  }
0x5c: {  	_ =	shalt  }
0x5d: {  	_ =	shalt  }
0x5e: {  	_ =	shalt  }
0x5f: {  	_ =	shalt  }
0x60: {  	_ =	shalt  }
0x61: {  	_ =	shalt  }
0x62: {  	_ =	shalt  }
0x63: {  	_ =	shalt  }
0x64: {  	_ =	shalt  }
0x65: {  	_ =	shalt  }
0x66: {  	_ =	shalt  }
0x67: {  	_ =	shalt  }
0x68: {  	_ =	shalt  }
0x69: {  	_ =	shalt  }
0x6a: {  	_ =	shalt  }
0x6b: {  	_ =	shalt  }
0x6c: {  	_ =	shalt  }
0x6d: {  	_ =	shalt  }
0x6e: {  	_ =	shalt  }
0x6f: {  	_ =	shalt  }
0x70: {  	_ =	shalt  }
0x71: {  	_ =	shalt  }
0x72: {  	_ =	shalt  }
0x73: {  	_ =	shalt  }
0x74: {  	_ =	shalt  }
0x75: {  	_ =	shalt  }
0x76: {  	_ =	shalt  }
0x77: {  	_ =	shalt  }
0x78: {  	_ =	shalt  }
0x79: {  	_ =	shalt  }
0x7a: {  	_ =	shalt  }
0x7b: {  	_ =	shalt  }
0x7c: {  	_ =	shalt  }
0x7d: {  	_ =	shalt  }
0x7e: {  	_ =	shalt  }
0x7f: {  	_ =	shalt  }
0x80: {  	_ =	shalt  }
0x81: {  	_ =	shalt  }
0x82: {  	_ =	shalt  }
0x83: {  	_ =	shalt  }
0x84: {  	_ =	shalt  }
0x85: {  	_ =	shalt  }
0x86: {  	_ =	shalt  }
0x87: {  	_ =	shalt  }
.Lfunc_end0:
.L_simem_size_0:
called_computation.2_lowered:
.L_overlay_start_0:
0x88: {  	s2 =	sld [smem:$0x3FD9]  }
0x89: {  	s3 =	sld [smem:$0x3FFE];
	_ =	sdelay $0x1  }
0x8a: {  	s1 =	srdreg.scid  }
0x8b: {  	s0 =	sand.u32 $0x1, s1  }
0x8c: {  	s14 =	sshll.u32 s0, $0xA;
	s2 =	sadd.s32 s3, s2  }
0x8d: {  	s2 =	sadd.s32 s2, s14  }
0x8e: {  	[smem:$0x3FC0] =	sst s2  }
0x8f: {  	_ = 	snop  }
0x90: {  	s2 =	sld [smem:$0x3FD0];
	_ =	sdelay $0x2  }
0x91: {  	s15 =	simm.s32 $0xA;
	s4 =	simm.s32 $0x10  }
0x92: {  	[smem:s4], [sflag:s15] =	dma.local [hbm:s2], $0x1  }
0x93: {  	_ =	swait.eq [sflag:s15], $0x1  }
0x94: {  	[sflag:s15] =	ssyncset.done $0x0  }
0x95: {  	s16 =	sld [smem:$0x10];
	[sflag:s15] =	ssyncadd.s32 $0xFFFFFFFF  }
0x96: {  	s17 =	sld [smem:$0x11];
	(tm) =	ssettm $0x1  }
0x97: {  	s18 =	sld [smem:$0x3FFB];
	_ =	sdelay $0x3  }
0x98: {  	_ =	strace s18  }
0x99: {  	s4 =	sld [smem:$0x3FFC];
	_ =	sdelay $0x3  }
0x9a: {  	_ =	strace s4  }
0x9b: {  	s4 =	sld [smem:$0x3FFD];
	_ =	sdelay $0x3  }
0x9c: {  	_ =	strace s4  }
0x9d: {  	_ =	strace $0x8FFFFFFF  }
0x9e: {  	s19 =	sld [smem:$0x3FDB];
	_ =	sdelay $0x1  }
0x9f: {  	s5 =	simm.s32 $_scs_section_size  }
0xa0: {  	s6 =	simm.s32 $_size__tile_overlayer_lowered;
	s7 =	simm.s32 $_tile_overlayer_lowered  }
0xa1: {  	s22 =	simm.s32 $0x1BFF;
	s21 =	sshll.u32 s7, $0x1;
	s4 =	sadd.s32 s5, s19  }
0xa2: {  	s8 =	simm.s32 $0x0;
	s20 =	sshll.u32 s6, $0x1;
	s6 =	sadd.s32 s21, s4  }
0xa3: {  	[timem:s8], [sflag:s22] =	dma.local [hbm:s6], s20  }
0xa4: {  	_ =	swait.ge [sflag:s22], s20  }
0xa5: {  	s5 =	ssub.s32 $0x0, s20;
	[sflag:s22] =	ssyncset.done $0x0  }
0xa6: {  	[sflag:s22] =	ssyncadd.s32 s5;
	_ =	sdelay $0x1  }
0xa7: {  	s23 =	simm.s32 $0x1B8B  }
0xa8: {  	_ =	swait.ge [sflag:s23], $0x1  }
0xa9: {  	[sflag:s23] =	ssyncset.done $0x0  }
0xaa: {  	s25 =	simm.s32 $0x1B8E;
	s24 =	sld [smem:$0x3FFE];
	[sflag:s23] =	ssyncadd.s32 $0xFFFFFFFF  }
0xab: {  	s26 =	simm.s32 $execute0_lowered;
	[smem:$0x3FD2] =	sst s25  }
0xac: {  	s6 =	sshll.u32 s26, $0x1;
	_ =	strace $0x8000004C;
	[dreg:$0x1] =	wrdreg $0xFFFFFFFF  }
0xad: {  	s28 =	simm.s32 $_size_execute0_lowered;
	s4 =	sadd.s32 s4, s6;
	[dreg:$0x0] =	wrdreg $0x0  }
0xae: {  	s6 =	sshll.u32 s28, $0x1;
	[dreg:$0x2] =	wrdreg s4  }
0xaf: {  	[dreg:$0x3] =	wrdreg s6  }
0xb0: {  	[dreg:$0x4] =	wrdreg $0xC0  }
0xb1: {  	_ =	task [dreg:s8], $0x5FFFF  }
0xb2: {  	[dreg:$0x1] =	wrdreg $0xFFFFFFFF  }
0xb3: {  	[dreg:$0x0] =	wrdreg $0x60  }
0xb4: {  	[dreg:$0x2] =	wrdreg s24  }
0xb5: {  	[dreg:$0x3] =	wrdreg s17  }
0xb6: {  	[dreg:$0x4] =	wrdreg s16  }
0xb7: {  	[dreg:$0x5] =	wrdreg $0x82000  }
0xb8: {  	[dreg:$0x6] =	wrdreg $0x9  }
0xb9: {  	_ =	task.clear_ibuf [dreg:s8], $0x7FFFF;
	_ =	strace $0x9000004C  }
0xba: {  	s29 =	simm.s32 $0x9;
	_ =	strace $0x8000004E  }
0xbb: {  	_ =	swait.ge [sflag:s29], $0x1  }
0xbc: {  	[sflag:s29] =	ssyncadd.s32 $0xFFFFFFFF  }
0xbd: {  	_ =	strace $0x9000004E  }
0xbe: {  	_ =	sfence  }
0xbf: {  	s30 =	sld [smem:$0x0];
	_ =	sdelay $0x2  }
0xc0: {  	s31 =	sshll.u32 s1, $0xD;
	s1 =	sshrl.u32 s1, $0x2  }
0xc1: {  	s3 =	sand.u32 $0x4000, s31;
	s1 =	sadd.s32 s1, s30  }
0xc2: {  	s0 =	sor.u32 s3, s0;
	s1 =	sshll.u32 s1, $0x11  }
0xc3: {  	s0 =	sor.u32 s1, s0  }
0xc4: {  	s0 =	sadd.s32 $0x8F2B, s0  }
0xc5: {  	[sflag:s0] =	ssyncadd.remote.s32 $0x1  }
0xc6: {  	_ =	sfence.sel $0xFFFF  }
0xc7: {  	[dreg:$0x0] =	wrdreg $0xFFFFFFFF;
	(pc) =	sbr.abs _section_cstart, $3  }
0xc8: {  	[dreg:$0x1] =	wrdreg $0xFFFFFFFF  }
0xc9: {  	_ =	task.clear_ibuf [dreg:s8], $0x2FFFF;
	_ =	strace $0x9FFFFFFF  }
0xca: {  	(tm) =	ssettm $0x7FFFFFFF  }
0xcb: {  	_ =	shalt  }
tec
execute0_lowered:
.L_overlay_start_1:
0x0: {  	(tag) =	ssettag $0x1  }
0x1: {  	s10 =	rddreg [dreg:$0x0]  }
0x2: {  	s1 =	rddreg [dreg:$0x1]  }
0x3: {  	s2 =	rddreg [dreg:$0x2]  }
0x4: {  	s3 =	rddreg [dreg:$0x3]  }
0x5: {  	s5 =	simm.s32 $0x0;
	s4 =	srdreg.scid;
	s19 =	simm.s32 $0x80  }
0x6: {  	s20 =	simm.s32 $0x100;
	s21 =	simm.s32 $0x1;
	s22 =	simm.s32 $0x200  }
0x7: {  	s23 =	simm.s32 $0x2;
	s28 =	simm.s32 $0x180;
	s29 =	simm.s32 $0x0  }
0x8: {  	[smem:$0x7FF] =	sst s5;
	s11 =	sand.u32 $0x1, s4;
	s4 =	stileid.u32  }
0x9: {  	s6 =	sadd.s32 $0x3200, s10;
	s7 =	sadd.s32 $0xD200, s10;
	s9 =	smul.u32 $0x140000, s11  }
0xa: {  	s8 =	sadd.s32 $0x17200, s10;
	_ =	strace $0x8000004D;
	s12 =	smul.u32 $0x14000, s4  }
0xb: {  	s24 =	ssub.s32 $0x2, s11;
	s13 =	smul.u32 $0x50000, s4;
	s26 =	sshll.u32 s4, $0x6  }
0xc: {  	p0 =	seq.s32 s11, $0x1;
	s15 =	sshrl.u32 s24, $0x1;
	s9 =	sadd.s32 s12, s9  }
0xd: {  	s17 =	ssub.s32 s24, s15;
	s25 =	sshrl.u32 s13, $0x2;
	s24 =	simm.s32 $0x4200  }
0xe: {  	s14 =	sshrl.u32 s9, $0x3;
	s9 =	smul.u32 $0x5000, s4;
	s18 =	sadd.s32 s25, s3  }
.Ltmp0:
0xf: {  	s25 =	simm.s32 $0x3;
	s16 =	sadd.s32 s14, s10;
	(pc) =	sbr.rel .LBB2_1-.Ltmp0, $4  }
0x10: {  	s10 =	sor.u32 $0x1C05, s26;
	s26 =	simm.s32 $0x4;
	s30 =	sshrl.u32 s9, $0x3  }
0x11: {  	s15 =	sadd.s32 $0x40C00, s16;
	s16 =	smax.u32 s17, $0x1;
	s17 =	sshrl.u32 s18, $0x3  }
0x12: {  	s18 =	simm.s32 $0x5;
	s31 =	sor.u32 $0x10, s30;
	s11 =	sadd.s32 s6, s30  }
0x13: {  	s12 =	sadd.s32 s7, s30;
	s13 =	sadd.s32 s6, s31;
	s14 =	sadd.s32 s7, s31  }
.LBB2_6:
0x14: {  	_ =	swait.ge [sflag:s26], $0x4000  }
0x15: {  	[sflag:s26] =	ssyncset.done $0x0  }
0x16: {  	[sflag:s26] =	ssyncadd.s32 $0xFFFFC000  }
0x17: {  	[spmem:s3] =	stream.indirect.scatter.add.f32 [tilespmem:s24], [sflag:$0x5], $0x80, s28, s19, $0xb8;
	[tilespmem:$0x1C200] =	vst v63  }
0x18: {  	_ =	swait.ge [sflag:s18], $0x4000  }
0x19: {  	[sflag:s18] =	ssyncset.done $0x0  }
0x1a: {  	[sflag:s18] =	ssyncadd.s32 $0xFFFFC000  }
.LBB2_7:
0x1b: {  	s29 =	sadd.s32 $0x1, s29  }
0x1c: {  	p1 =	sne.s32 s29, s16  }
.Ltmp1:
0x1d: {  	[bflag:$0x0] =	sbarrier.arrive $0xFFFF;
	(pc) =	sbr.rel @!p1 .LBB2_8-.Ltmp1, $4  }
0x1e: {  	[hbm:s15], [sflag:s10] =	dma.local [spmem:s17], $0x2800  }
0x1f: {  	_ =	swait.ge [sflag:s18], $0x2800  }
0x20: {  	[sflag:s18] =	ssyncset.done $0x0  }
0x21: {  	[sflag:s18] =	ssyncadd.s32 $0xFFFFD800  }
.LBB2_1:
0x22: {  	[spmem:s17], [sflag:s10] =	dma.local [hbm:s8], $0x2800  }
0x23: {  	_ =	swait.ge [sflag:s18], $0x2800  }
0x24: {  	[sflag:s18] =	ssyncset.done $0x0  }
0x25: {  	[sflag:s18] =	ssyncadd.s32 $0xFFFFD800  }
0x26: {  	[bflag:$0x0] =	sbarrier.arrive $0xFFFF  }
0x27: {  	[tilespmem:s5], [sflag:$0x1] =	stream.linear.gather [hbm4b:s11+s5], $0x80, $0x38;
	[tilespmem:$0x1C200] =	vst v63  }
0x28: {  	_ = 	snop  }
0x29: {  	[tilespmem:s19], [sflag:$0x1] =	stream.linear.gather [hbm4b:s12+s5], $0x80, $0x38;
	[tilespmem:$0x1C200] =	vst v63  }
.Ltmp2:
0x2a: {  	_ = 	snop;
	(pc) =	sbr.rel @!p0 .LBB2_2-.Ltmp2, $4  }
0x2b: {  	_ = 	snop  }
0x2c: {  	[tilespmem:s20], [sflag:$0x2] =	stream.linear.gather [hbm4b:s13+s5], $0x80, $0x38;
	[tilespmem:$0x1C200] =	vst v63  }
0x2d: {  	s30 =	simm.s32 $0x180;
	s31 =	simm.s32 $0x180  }
0x2e: {  	[tilespmem:s28], [sflag:$0x2] =	stream.linear.gather [hbm4b:s14+s5], $0x80, $0x38;
	[tilespmem:$0x1C200] =	vst v63  }
.LBB2_4:
0x2f: {  	_ =	swait.ge [sflag:s21], $0x80  }
0x30: {  	[sflag:s21] =	ssyncset.done $0x0  }
0x31: {  	[sflag:s21] =	ssyncadd.s32 $0xFFFFFF80  }
0x32: {  	_ =	swait.ge [sflag:s21], $0x80  }
0x33: {  	[sflag:s21] =	ssyncset.done $0x0  }
0x34: {  	[sflag:s21] =	ssyncadd.s32 $0xFFFFFF80  }
0x35: {  	[tilespmem:s22], [sflag:$0x3] =	stream.indirect.gather [hbm4b:s2+s19], $0x80, s5, s19, $0xb8;
	[tilespmem:$0x1C200] =	vst v63  }
0x36: {  	_ =	swait.ge [sflag:s23], $0x80  }
0x37: {  	[sflag:s23] =	ssyncset.done $0x0  }
0x38: {  	[sflag:s23] =	ssyncadd.s32 $0xFFFFFF80  }
0x39: {  	_ =	swait.ge [sflag:s23], $0x80  }
0x3a: {  	[sflag:s23] =	ssyncset.done $0x0  }
0x3b: {  	[sflag:s23] =	ssyncadd.s32 $0xFFFFFF80  }
0x3c: {  	[tilespmem:s24], [sflag:$0x4] =	stream.indirect.gather [hbm4b:s2+s19], $0x80, s20, s19, $0xb8;
	[tilespmem:$0x1C200] =	vst v63  }
0x3d: {  	_ =	swait.ge [sflag:s25], $0x4000  }
0x3e: {  	p1 =	seq.s32 s31, $0x5080;
	[sflag:s25] =	ssyncset.done $0x0  }
.Ltmp3:
0x3f: {  	[sflag:s25] =	ssyncadd.s32 $0xFFFFC000;
	(pc) =	sbr.rel @p1 .LBB2_6-.Ltmp3, $4  }
0x40: {  	[spmem:s3] =	stream.indirect.scatter.add.f32 [tilespmem:s22], [sflag:$0x5], $0x80, s19, s19, $0xb8;
	[tilespmem:$0x1C200] =	vst v63  }
0x41: {  	_ =	swait.ge [sflag:s18], $0x4000  }
0x42: {  	[sflag:s18] =	ssyncset.done $0x0  }
0x43: {  	[sflag:s18] =	ssyncadd.s32 $0xFFFFC000  }
0x44: {  	s0 =	sadd.s32 $0xFFFFFF80, s31  }
0x45: {  	s30 =	sand.u32 $0xFC00, s0  }
0x46: {  	s0 =	sand.u32 $0x300, s0;
	s30 =	sadd.s32 s9, s30  }
0x47: {  	s0 =	sor.u32 s0, s30  }
0x48: {  	s0 =	sshrl.u32 s0, $0x3  }
0x49: {  	s30 =	sadd.s32 s6, s0  }
0x4a: {  	[tilespmem:s5], [sflag:$0x1] =	stream.linear.gather [hbm4b:s30+s5], $0x80, $0x38;
	[tilespmem:$0x1C200] =	vst v63  }
0x4b: {  	s0 =	sadd.s32 s7, s0  }
0x4c: {  	[tilespmem:s19], [sflag:$0x1] =	stream.linear.gather [hbm4b:s0+s5], $0x80, $0x38;
	[tilespmem:$0x1C200] =	vst v63  }
0x4d: {  	s30 =	sand.u32 $0xFC00, s31;
	_ =	swait.ge [sflag:s26], $0x4000  }
0x4e: {  	s0 =	sadd.s32 s9, s30;
	[sflag:s26] =	ssyncset.done $0x0  }
0x4f: {  	s30 =	sand.u32 $0x380, s31;
	s31 =	sadd.s32 $0x100, s31;
	[sflag:s26] =	ssyncadd.s32 $0xFFFFC000  }
0x50: {  	[spmem:s3] =	stream.indirect.scatter.add.f32 [tilespmem:s24], [sflag:$0x5], $0x80, s28, s19, $0xb8;
	[tilespmem:$0x1C200] =	vst v63  }
0x51: {  	s0 =	sor.u32 s30, s0;
	p1 =	seq.s32 s31, $0x5180;
	_ =	swait.ge [sflag:s18], $0x4000  }
.Ltmp4:
0x52: {  	s0 =	sshrl.u32 s0, $0x3;
	[sflag:s18] =	ssyncset.done $0x0;
	(pc) =	sbr.rel @!p1 .LBB2_4-.Ltmp4, $4  }
.Ltmp5:
0x53: {  	s30 =	sadd.s32 s6, s0;
	[sflag:s18] =	ssyncadd.s32 $0xFFFFC000;
	(pc) =	sbr.rel @p1 .LBB2_7-.Ltmp5, $4  }
0x54: {  	[tilespmem:s20], [sflag:$0x2] =	stream.linear.gather [hbm4b:s30+s5], $0x80, $0x38;
	[tilespmem:$0x1C200] =	vst v63  }
0x55: {  	s0 =	sadd.s32 s7, s0  }
0x56: {  	[tilespmem:s28], [sflag:$0x2] =	stream.linear.gather [hbm4b:s0+s5], $0x80, $0x38;
	[tilespmem:$0x1C200] =	vst v63  }
0x57: {  	_ = 	snop  }
.LBB2_2:
0x58: {  	_ =	swait.ge [sflag:s21], $0x80  }
0x59: {  	[sflag:s21] =	ssyncset.done $0x0  }
0x5a: {  	[sflag:s21] =	ssyncadd.s32 $0xFFFFFF80  }
0x5b: {  	_ =	swait.ge [sflag:s21], $0x80  }
0x5c: {  	[sflag:s21] =	ssyncset.done $0x0  }
0x5d: {  	[sflag:s21] =	ssyncadd.s32 $0xFFFFFF80  }
0x5e: {  	[tilespmem:s22], [sflag:$0x3] =	stream.indirect.gather [hbm4b:s1+s19], $0x80, s5, s19, $0xb8;
	[tilespmem:$0x1C200] =	vst v63  }
0x5f: {  	_ =	swait.ge [sflag:s23], $0x80  }
0x60: {  	[sflag:s23] =	ssyncset.done $0x0  }
0x61: {  	[sflag:s23] =	ssyncadd.s32 $0xFFFFFF80  }
0x62: {  	_ =	swait.ge [sflag:s23], $0x80  }
0x63: {  	[sflag:s23] =	ssyncset.done $0x0  }
0x64: {  	[sflag:s23] =	ssyncadd.s32 $0xFFFFFF80  }
0x65: {  	[tilespmem:s24], [sflag:$0x4] =	stream.indirect.gather [hbm4b:s1+s19], $0x80, s20, s19, $0xb8;
	[tilespmem:$0x1C200] =	vst v63  }
0x66: {  	_ =	swait.ge [sflag:s25], $0x4000  }
0x67: {  	p1 =	seq.s32 s30, $0x5080;
	[sflag:s25] =	ssyncset.done $0x0  }
.Ltmp6:
0x68: {  	[sflag:s25] =	ssyncadd.s32 $0xFFFFC000;
	(pc) =	sbr.rel @p1 .LBB2_6-.Ltmp6, $4  }
0x69: {  	[spmem:s3] =	stream.indirect.scatter.add.f32 [tilespmem:s22], [sflag:$0x5], $0x80, s19, s19, $0xb8;
	[tilespmem:$0x1C200] =	vst v63  }
0x6a: {  	_ =	swait.ge [sflag:s18], $0x4000  }
0x6b: {  	[sflag:s18] =	ssyncset.done $0x0  }
0x6c: {  	[sflag:s18] =	ssyncadd.s32 $0xFFFFC000  }
0x6d: {  	s31 =	sadd.s32 $0xFFFFFF80, s30  }
0x6e: {  	s0 =	sand.u32 $0xFC00, s31  }
0x6f: {  	s31 =	sand.u32 $0x300, s31;
	s0 =	sadd.s32 s9, s0  }
0x70: {  	s0 =	sor.u32 s31, s0  }
0x71: {  	s0 =	sshrl.u32 s0, $0x3  }
0x72: {  	s31 =	sadd.s32 s6, s0  }
0x73: {  	[tilespmem:s5], [sflag:$0x1] =	stream.linear.gather [hbm4b:s31+s5], $0x80, $0x38;
	[tilespmem:$0x1C200] =	vst v63  }
0x74: {  	s0 =	sadd.s32 s7, s0  }
0x75: {  	[tilespmem:s19], [sflag:$0x1] =	stream.linear.gather [hbm4b:s0+s5], $0x80, $0x38;
	[tilespmem:$0x1C200] =	vst v63  }
0x76: {  	s31 =	sand.u32 $0xFC00, s30;
	_ =	swait.ge [sflag:s26], $0x4000  }
0x77: {  	s0 =	sadd.s32 s9, s31;
	[sflag:s26] =	ssyncset.done $0x0  }
0x78: {  	s31 =	sand.u32 $0x380, s30;
	s30 =	sadd.s32 $0x100, s30;
	[sflag:s26] =	ssyncadd.s32 $0xFFFFC000  }
0x79: {  	[spmem:s3] =	stream.indirect.scatter.add.f32 [tilespmem:s24], [sflag:$0x5], $0x80, s28, s19, $0xb8;
	[tilespmem:$0x1C200] =	vst v63  }
0x7a: {  	s0 =	sor.u32 s31, s0;
	p1 =	seq.s32 s30, $0x5180;
	_ =	swait.ge [sflag:s18], $0x4000  }
.Ltmp7:
0x7b: {  	s0 =	sshrl.u32 s0, $0x3;
	[sflag:s18] =	ssyncset.done $0x0;
	(pc) =	sbr.rel @!p1 .LBB2_2-.Ltmp7, $4  }
.Ltmp8:
0x7c: {  	s31 =	sadd.s32 s6, s0;
	[sflag:s18] =	ssyncadd.s32 $0xFFFFC000;
	(pc) =	sbr.rel @p1 .LBB2_7-.Ltmp8, $4  }
0x7d: {  	[tilespmem:s20], [sflag:$0x2] =	stream.linear.gather [hbm4b:s31+s5], $0x80, $0x38;
	[tilespmem:$0x1C200] =	vst v63  }
0x7e: {  	s0 =	sadd.s32 s7, s0  }
0x7f: {  	[tilespmem:s28], [sflag:$0x2] =	stream.linear.gather [hbm4b:s0+s5], $0x80, $0x38;
	[tilespmem:$0x1C200] =	vst v63  }
0x80: {  	_ = 	snop  }
.LBB2_8:
0x81: {  	_ =	sfence.sel $0x180000  }
0x82: {  	[bflag:$0x0] =	sbarrier.arrive $0xFFFF  }
0x83: {  	_ =	strace $0x9000004D  }
0x84: {  	[bflag:$0x2] =	sbarrier.arrive $0xFFFF  }
0x85: {  	p0 =	sne.s32 s4, $0x0;
	s0 =	rddreg [dreg:$0x4]  }
0x86: {  	s0 =	sadd.s32 @!p0 $0x100000, s0  }
0x87: {  	[sflag:s0] =	ssyncadd.tile.s32 @!p0 $0x1;
	_ =	shalt  }
.Lfunc_end2:
_tile_overlayer_lowered:
.L_overlay_start_2:
0x88: {  	(tag) =	ssettag $0x2  }
0x89: {  	s0 =	rddreg [dreg:$0x0];
	s2 =	stileid.u32  }
0x8a: {  	s1 =	rddreg [dreg:$0x1];
	p0 =	sne.s32 s2, $0x0  }
0x8b: {  	s3 =	rddreg [dreg:$0x2];
	[bflag:$0x3] =	sbarrier.arrive $0xFFFF;
	s2 =	simm.s32 @!p0 $0x1C05  }
0x8c: {  	[timem:s3], [sflag:s2] =	dma.local @!p0 [hbm:s0], s1  }
0x8d: {  	s0 =	simm.s32 @!p0 $0x5  }
0x8e: {  	_ =	swait.ge @!p0 [sflag:s0], s1  }
0x8f: {  	s1 =	ssub.s32 @!p0 $0x0, s1;
	[sflag:s0] =	ssyncset.done @!p0 $0x0  }
0x90: {  	[sflag:s0] =	ssyncadd.s32 @!p0 s1  }
0x91: {  	[bflag:$0x3] =	sbarrier.arrive $0xFFFF  }
0x92: {  	_ =	shalt  }

// kernel: kernel.8.cloned.1.call-start
scs
__scs_entry_jumppad:
0x0: {  	(pc) =	sbr.rel $0x88, $3  }
0x1: {  	(tag) =	ssettag $0x0;
	lr =	simm.s32 $0x1  }
0x2: {  	[smem:$0x3F99] =	sst lr;
	_ =	strace $0xD0000000  }
0x3: {  	_ = 	snop  }
0x4: {  	_ = 	snop  }
0x5: {  	_ = 	snop  }
0x6: {  	_ = 	snop  }
0x7: {  	_ = 	snop  }
__scs_overlays_trampoline_lowered:
0x8: {  	[smem:$0x3FA8] =	sst s0  }
0x9: {  	[smem:$0x3FA9] =	sst s1  }
0xa: {  	[smem:$0x3FAA] =	sst s2  }
0xb: {  	[smem:$0x3FAB] =	sst s3  }
0xc: {  	[smem:$0x3FAC] =	sst s4  }
0xd: {  	[smem:$0x3FAD] =	sst s5  }
0xe: {  	[smem:$0x3FAE] =	sst s6  }
0xf: {  	[smem:$0x3FAF] =	sst s7  }
0x10: {  	[smem:$0x3FB0] =	sst s8  }
0x11: {  	[smem:$0x3FB1] =	sst s9;
	s0 =	simm.s32 @!p0 $0x0  }
0x12: {  	s1 =	sld [smem:$0x3F97];
	s0 =	simm.s32 @p0 $0x1  }
0x13: {  	[smem:$0x3FB2] =	sst s0;
	s0 =	simm.s32 @!p1 $0x0  }
0x14: {  	s2 =	sld [smem:$0x3F96];
	s0 =	simm.s32 @p1 $0x1  }
0x15: {  	[smem:$0x3FB3] =	sst s0;
	s0 =	simm.s32 @!p2 $0x0  }
0x16: {  	s3 =	sld [smem:$0x3FDB];
	s0 =	simm.s32 @p2 $0x1  }
0x17: {  	s4 =	simm.s32 $0x1BF5;
	[smem:$0x3FB5] =	sst s0  }
0x18: {  	s0 =	sld [smem:$0x3F98];
	_ =	swait.ge [sflag:s4], $0x0  }
0x19: {  	s7 =	sld [smem:$0x3F99]  }
0x1a: {  	s8 =	sadd.s32 $0xFFFFE003, lr  }
0x1b: {  	s9 =	sadd.s32 $0xFFFFFEF7, lr;
	s5 =	simm.s32 $0xFFFFFFFF;
	p2 =	slt.u32 s8, $0xFFFFF086  }
0x1c: {  	p1 =	slt.u32 s9, $0xF7A;
	s5 =	simm.s32 @!p2 $0x0  }
0x1d: {  	s5 =	simm.s32 @p1 $0x1;
	p0 =	seq.s32 s7, s2  }
0x1e: {  	s7 =	smul.u32 @!p0 $0xF7A, s2;
	p2 =	seq.s32 @!p0 s5, $0x0  }
0x1f: {  	s9 =	smul.u32 $0xF7A, s1;
	s8 =	simm.s32 @!p0 $0x1BF5;
	p2 =	por !p2, p0  }
0x20: {  	[sflag:s8] =	ssyncset.s32 @!p0 $0xFFFFF086;
	s6 =	sadd.s32 @!p0 s3, s7;
	s7 =	simm.s32 @!p0 $0x108  }
0x21: {  	s3 =	sadd.s32 s3, s9;
	s6 =	sadd.s32 @!p0 $0x88, s6;
	s7 =	simm.s32 @p2 $0x1082  }
0x22: {  	[simem:s7], [sflag:s8] =	dma.local @!p0 [hbm:s6], $0xF7A  }
0x23: {  	s9 =	sor.u32 $0xD0000000, s2;
	s6 =	simm.s32 $0x108;
	_ =	swait.ge @!p0 [sflag:s8], $0x0  }
0x24: {  	s3 =	sadd.s32 $0x88, s3;
	s6 =	simm.s32 @!p1 $0x1082;
	[sflag:s4] =	ssyncset.s32 $0xFFFFF086  }
0x25: {  	[simem:s6], [sflag:s4] =	dma.local [hbm:s3], $0xF7A  }
0x26: {  	[smem:$0x3F99] =	sst s1;
	(tag) =	ssettag s2;
	_ =	strace s9  }
0x27: {  	s1 =	sld [smem:$0x3FA9]  }
0x28: {  	s2 =	sld [smem:$0x3FAA]  }
0x29: {  	s4 =	sld [smem:$0x3FAC]  }
0x2a: {  	p0 =	seq.s32 s5, $0x0;
	s5 =	sld [smem:$0x3FAD]  }
0x2b: {  	s6 =	sld [smem:$0x3FAE]  }
0x2c: {  	s7 =	sld [smem:$0x3FAF]  }
0x2d: {  	s3 =	simm.s32 $0x108;
	s8 =	sld [smem:$0x3FB0]  }
0x2e: {  	s3 =	simm.s32 @!p0 $0x1082;
	s9 =	sld [smem:$0x3FB1]  }
0x2f: {  	lr =	sadd.s32 s0, s3;
	s0 =	sld [smem:$0x3FA8]  }
0x30: {  	s3 =	sld [smem:$0x3FAB]  }
0x31: {  	[smem:$0x3FB4] =	sst s10  }
0x32: {  	s10 =	sld [smem:$0x3FB2];
	_ =	sdelay $0x3  }
0x33: {  	p0 =	seq.s32 s10, $0x1;
	s10 =	sld [smem:$0x3FB4];
	_ =	sdelay $0x3  }
0x34: {  	[smem:$0x3FB4] =	sst s10  }
0x35: {  	s10 =	sld [smem:$0x3FB3];
	_ =	sdelay $0x3  }
0x36: {  	p1 =	seq.s32 s10, $0x1;
	s10 =	sld [smem:$0x3FB4];
	_ =	sdelay $0x3  }
0x37: {  	[smem:$0x3FB4] =	sst s10  }
0x38: {  	s10 =	sld [smem:$0x3FB5]  }
0x39: {  	_ = 	snop;
	(pc) =	sbr.ind lr, $3  }
0x3a: {  	_ = 	snop  }
0x3b: {  	_ = 	snop  }
0x3c: {  	p2 =	seq.s32 s10, $0x1;
	s10 =	sld [smem:$0x3FB4]  }
0x3d: {  	_ =	shalt  }
0x3e: {  	_ =	shalt  }
0x3f: {  	_ =	shalt  }
0x40: {  	_ =	shalt  }
0x41: {  	_ =	shalt  }
0x42: {  	_ =	shalt  }
0x43: {  	_ =	shalt  }
0x44: {  	_ =	shalt  }
0x45: {  	_ =	shalt  }
0x46: {  	_ =	shalt  }
0x47: {  	_ =	shalt  }
0x48: {  	_ =	shalt  }
0x49: {  	_ =	shalt  }
0x4a: {  	_ =	shalt  }
0x4b: {  	_ =	shalt  }
0x4c: {  	_ =	shalt  }
0x4d: {  	_ =	shalt  }
0x4e: {  	_ =	shalt  }
0x4f: {  	_ =	shalt  }
0x50: {  	_ =	shalt  }
0x51: {  	_ =	shalt  }
0x52: {  	_ =	shalt  }
0x53: {  	_ =	shalt  }
0x54: {  	_ =	shalt  }
0x55: {  	_ =	shalt  }
0x56: {  	_ =	shalt  }
0x57: {  	_ =	shalt  }
0x58: {  	_ =	shalt  }
0x59: {  	_ =	shalt  }
0x5a: {  	_ =	shalt  }
0x5b: {  	_ =	shalt  }
0x5c: {  	_ =	shalt  }
0x5d: {  	_ =	shalt  }
0x5e: {  	_ =	shalt  }
0x5f: {  	_ =	shalt  }
0x60: {  	_ =	shalt  }
0x61: {  	_ =	shalt  }
0x62: {  	_ =	shalt  }
0x63: {  	_ =	shalt  }
0x64: {  	_ =	shalt  }
0x65: {  	_ =	shalt  }
0x66: {  	_ =	shalt  }
0x67: {  	_ =	shalt  }
0x68: {  	_ =	shalt  }
0x69: {  	_ =	shalt  }
0x6a: {  	_ =	shalt  }
0x6b: {  	_ =	shalt  }
0x6c: {  	_ =	shalt  }
0x6d: {  	_ =	shalt  }
0x6e: {  	_ =	shalt  }
0x6f: {  	_ =	shalt  }
0x70: {  	_ =	shalt  }
0x71: {  	_ =	shalt  }
0x72: {  	_ =	shalt  }
0x73: {  	_ =	shalt  }
0x74: {  	_ =	shalt  }
0x75: {  	_ =	shalt  }
0x76: {  	_ =	shalt  }
0x77: {  	_ =	shalt  }
0x78: {  	_ =	shalt  }
0x79: {  	_ =	shalt  }
0x7a: {  	_ =	shalt  }
0x7b: {  	_ =	shalt  }
0x7c: {  	_ =	shalt  }
0x7d: {  	_ =	shalt  }
0x7e: {  	_ =	shalt  }
0x7f: {  	_ =	shalt  }
0x80: {  	_ =	shalt  }
0x81: {  	_ =	shalt  }
0x82: {  	_ =	shalt  }
0x83: {  	_ =	shalt  }
0x84: {  	_ =	shalt  }
0x85: {  	_ =	shalt  }
0x86: {  	_ =	shalt  }
0x87: {  	_ =	shalt  }
.Lfunc_end0:
.L_simem_size_0:
called_computation_lowered:
.L_overlay_start_0:
0x88: {  	s2 =	sld [smem:$0x3FD9]  }
0x89: {  	s3 =	sld [smem:$0x3FFE];
	_ =	sdelay $0x1  }
0x8a: {  	s1 =	srdreg.scid  }
0x8b: {  	s0 =	sand.u32 $0x1, s1  }
0x8c: {  	s14 =	sshll.u32 s0, $0xA;
	s2 =	sadd.s32 s3, s2  }
0x8d: {  	s2 =	sadd.s32 s2, s14  }
0x8e: {  	[smem:$0x3FC0] =	sst s2  }
0x8f: {  	_ = 	snop  }
0x90: {  	s2 =	sld [smem:$0x3FD0];
	_ =	sdelay $0x2  }
0x91: {  	s15 =	simm.s32 $0xA;
	s4 =	simm.s32 $0x10  }
0x92: {  	[smem:s4], [sflag:s15] =	dma.local [hbm:s2], $0x1  }
0x93: {  	_ =	swait.eq [sflag:s15], $0x1  }
0x94: {  	[sflag:s15] =	ssyncset.done $0x0  }
0x95: {  	[sflag:s15] =	ssyncadd.s32 $0xFFFFFFFF  }
0x96: {  	s16 =	sld [smem:$0x11];
	(tm) =	ssettm $0x1  }
0x97: {  	s17 =	sld [smem:$0x3FFB];
	_ =	sdelay $0x3  }
0x98: {  	_ =	strace s17  }
0x99: {  	s3 =	sld [smem:$0x3FFC];
	_ =	sdelay $0x3  }
0x9a: {  	_ =	strace s3  }
0x9b: {  	s3 =	sld [smem:$0x3FFD];
	_ =	sdelay $0x3  }
0x9c: {  	_ =	strace s3  }
0x9d: {  	_ =	strace $0x8FFFFFFF  }
0x9e: {  	s18 =	sld [smem:$0x3FDB];
	_ =	sdelay $0x1  }
0x9f: {  	s19 =	simm.s32 $_scs_section_size  }
0xa0: {  	s5 =	simm.s32 $_size__tile_overlayer_lowered;
	s6 =	simm.s32 $_tile_overlayer_lowered  }
0xa1: {  	s22 =	simm.s32 $0x1BFF;
	s21 =	sshll.u32 s6, $0x1;
	s3 =	sadd.s32 s19, s18  }
0xa2: {  	s7 =	simm.s32 $0x0;
	s20 =	sshll.u32 s5, $0x1;
	s5 =	sadd.s32 s21, s3  }
0xa3: {  	[timem:s7], [sflag:s22] =	dma.local [hbm:s5], s20  }
0xa4: {  	_ =	swait.ge [sflag:s22], s20  }
0xa5: {  	s4 =	ssub.s32 $0x0, s20;
	[sflag:s22] =	ssyncset.done $0x0  }
0xa6: {  	[sflag:s22] =	ssyncadd.s32 s4;
	_ =	sdelay $0x1  }
0xa7: {  	s23 =	simm.s32 $0x1B8B  }
0xa8: {  	_ =	swait.ge [sflag:s23], $0x1  }
0xa9: {  	[sflag:s23] =	ssyncset.done $0x0  }
0xaa: {  	s25 =	simm.s32 $0x1B8E;
	s24 =	sld [smem:$0x3FFE];
	[sflag:s23] =	ssyncadd.s32 $0xFFFFFFFF  }
0xab: {  	s26 =	simm.s32 $execute0_lowered;
	[smem:$0x3FD2] =	sst s25  }
0xac: {  	s5 =	sshll.u32 s26, $0x1;
	_ =	strace $0x80000046;
	[dreg:$0x1] =	wrdreg $0xFFFFFFFF  }
0xad: {  	s28 =	simm.s32 $_size_execute0_lowered;
	s3 =	sadd.s32 s3, s5;
	[dreg:$0x0] =	wrdreg $0x0  }
0xae: {  	s5 =	sshll.u32 s28, $0x1;
	[dreg:$0x2] =	wrdreg s3  }
0xaf: {  	[dreg:$0x3] =	wrdreg s5  }
0xb0: {  	[dreg:$0x4] =	wrdreg $0xC0  }
0xb1: {  	_ =	task [dreg:s7], $0x5FFFF  }
0xb2: {  	[dreg:$0x1] =	wrdreg $0xFFFFFFFF  }
0xb3: {  	[dreg:$0x0] =	wrdreg $0x60  }
0xb4: {  	[dreg:$0x2] =	wrdreg s24  }
0xb5: {  	[dreg:$0x3] =	wrdreg s16  }
0xb6: {  	[dreg:$0x4] =	wrdreg $0x41000  }
0xb7: {  	[dreg:$0x5] =	wrdreg $0x9  }
0xb8: {  	_ =	task.clear_ibuf [dreg:s7], $0x6FFFF;
	_ =	strace $0x90000046  }
0xb9: {  	s29 =	simm.s32 $0x9;
	_ =	strace $0x80000048  }
0xba: {  	_ =	swait.ge [sflag:s29], $0x1  }
0xbb: {  	[sflag:s29] =	ssyncadd.s32 $0xFFFFFFFF  }
0xbc: {  	_ =	strace $0x90000048  }
0xbd: {  	_ =	sfence  }
0xbe: {  	s30 =	sld [smem:$0x0];
	_ =	sdelay $0x2  }
0xbf: {  	s31 =	sshll.u32 s1, $0xD;
	s1 =	sshrl.u32 s1, $0x2  }
0xc0: {  	s3 =	sand.u32 $0x4000, s31;
	s1 =	sadd.s32 s1, s30  }
0xc1: {  	s0 =	sor.u32 s3, s0;
	s1 =	sshll.u32 s1, $0x11  }
0xc2: {  	s0 =	sor.u32 s1, s0  }
0xc3: {  	s0 =	sadd.s32 $0x8F2B, s0  }
0xc4: {  	[sflag:s0] =	ssyncadd.remote.s32 $0x1  }
0xc5: {  	_ =	sfence.sel $0xFFFF  }
0xc6: {  	[dreg:$0x0] =	wrdreg $0xFFFFFFFF;
	(pc) =	sbr.abs _section_cstart, $3  }
0xc7: {  	[dreg:$0x1] =	wrdreg $0xFFFFFFFF  }
0xc8: {  	_ =	task.clear_ibuf [dreg:s7], $0x2FFFF;
	_ =	strace $0x9FFFFFFF  }
0xc9: {  	(tm) =	ssettm $0x7FFFFFFF  }
tec
execute0_lowered:
.L_overlay_start_1:
0x0: {  	(tag) =	ssettag $0x1  }
0x1: {  	s6 =	rddreg [dreg:$0x0]  }
0x2: {  	s1 =	rddreg [dreg:$0x1]  }
0x3: {  	s2 =	rddreg [dreg:$0x2];
	s3 =	srdreg.scid  }
0x4: {  	s0 =	rddreg [dreg:$0x3];
	s4 =	simm.s32 $0x0;
	s16 =	simm.s32 $0x80  }
0x5: {  	s17 =	simm.s32 $0x1;
	s18 =	simm.s32 $0x2;
	s7 =	sand.u32 $0x1, s3  }
0x6: {  	s19 =	simm.s32 $0x0;
	s3 =	stileid.u32;
	s8 =	smul.u32 $0x140000, s7  }
0x7: {  	[smem:$0x7FF] =	sst s4;
	s12 =	sadd.s32 $0xD200, s6;
	s9 =	smul.u32 $0x14000, s3  }
0x8: {  	s5 =	sadd.s32 $0x17200, s6;
	_ =	strace $0x80000047;
	s11 =	smul.u32 $0x50000, s3  }
0x9: {  	s23 =	sshll.u32 s7, $0x4;
	s10 =	ssub.s32 $0x2, s7;
	s24 =	smul.u32 $0x28000, s7  }
0xa: {  	s28 =	smul.u32 $0x2800, s3;
	s29 =	sshll.u32 s3, $0x6;
	s13 =	sshrl.u32 s10, $0x1  }
0xb: {  	s7 =	sor.u32 $0x1C03, s29;
	s8 =	sadd.s32 s9, s8;
	s9 =	sor.u32 s3, s23  }
0xc: {  	s10 =	ssub.s32 s10, s13;
	s25 =	sshrl.u32 s11, $0x2;
	s30 =	sadd.s32 s28, s24  }
0xd: {  	s8 =	sshrl.u32 s8, $0x3;
	s9 =	smul.u32 $0x2800, s9;
	s15 =	sadd.s32 s25, s2  }
0xe: {  	s13 =	sor.u32 $0x180, s30;
	s11 =	sor.u32 $0x100, s30;
	s10 =	smax.u32 s10, $0x1  }
0xf: {  	s14 =	sadd.s32 s8, s6;
	s13 =	sshrl.u32 s13, $0x3;
	s31 =	sshrl.u32 s11, $0x3  }
0x10: {  	s26 =	sshrl.u32 s9, $0x3;
	s9 =	sadd.s32 $0x19A00, s14;
	s11 =	sadd.s32 s13, s12  }
0x11: {  	s13 =	sshrl.u32 s15, $0x3;
	s14 =	simm.s32 $0x3;
	s6 =	sadd.s32 s12, s26  }
0x12: {  	s15 =	simm.s32 $0x100;
	s12 =	sadd.s32 s31, s12;
	s8 =	sadd.s32 $0x10, s6  }
.LBB2_1:
0x13: {  	[spmem:s13], [sflag:s7] =	dma.local [hbm:s5], $0x2800  }
0x14: {  	_ =	swait.ge [sflag:s14], $0x2800  }
0x15: {  	[sflag:s14] =	ssyncset.done $0x0  }
0x16: {  	[sflag:s14] =	ssyncadd.s32 $0xFFFFD800  }
0x17: {  	[tilespmem:s15], [sflag:$0x3] =	stream.linear.gather [hbm4b:s1+s4], $0x4000, $0x38;
	[tilespmem:$0x18100] =	vst v63  }
0x18: {  	_ =	swait.ge [sflag:s14], $0x4000  }
0x19: {  	[sflag:s14] =	ssyncset.done $0x0  }
0x1a: {  	[sflag:s14] =	ssyncadd.s32 $0xFFFFC000  }
0x1b: {  	[bflag:$0x0] =	sbarrier.arrive $0xFFFF  }
0x1c: {  	[tilespmem:s4], [sflag:$0x1] =	stream.linear.gather [hbm4b:s6+s4], $0x80, $0x38;
	[tilespmem:$0x18100] =	vst v63  }
0x1d: {  	_ = 	snop  }
0x1e: {  	[tilespmem:s16], [sflag:$0x2] =	stream.linear.gather [hbm4b:s8+s4], $0x80, $0x38;
	[tilespmem:$0x18100] =	vst v63  }
0x1f: {  	_ =	swait.ge [sflag:s17], $0x80  }
0x20: {  	[sflag:s17] =	ssyncset.done $0x0  }
0x21: {  	[sflag:s17] =	ssyncadd.s32 $0xFFFFFF80  }
0x22: {  	[spmem:s2] =	stream.indirect.scatter.add.f32 [tilespmem:s15], [sflag:$0x3], $0x80, s4, s16, $0xb8;
	[tilespmem:$0x18100] =	vst v63  }
0x23: {  	_ =	swait.ge [sflag:s14], $0x4000  }
0x24: {  	[sflag:s14] =	ssyncset.done $0x0  }
0x25: {  	s20 =	sadd.s32 $0x0, s12;
	[sflag:s14] =	ssyncadd.s32 $0xFFFFC000  }
0x26: {  	[tilespmem:s4], [sflag:$0x1] =	stream.linear.gather [hbm4b:s20+s4], $0x80, $0x38;
	[tilespmem:$0x18100] =	vst v63  }
0x27: {  	_ =	swait.ge [sflag:s18], $0x80  }
0x28: {  	[sflag:s18] =	ssyncset.done $0x0  }
0x29: {  	[sflag:s18] =	ssyncadd.s32 $0xFFFFFF80  }
0x2a: {  	[spmem:s2] =	stream.indirect.scatter.add.f32 [tilespmem:s15], [sflag:$0x3], $0x80, s16, s16, $0xb8;
	[tilespmem:$0x18100] =	vst v63  }
0x2b: {  	_ =	swait.ge [sflag:s14], $0x4000  }
0x2c: {  	[sflag:s14] =	ssyncset.done $0x0  }
0x2d: {  	s21 =	sadd.s32 $0x0, s11;
	s20 =	simm.s32 $0x20;
	[sflag:s14] =	ssyncadd.s32 $0xFFFFC000  }
.LBB2_2:
0x2e: {  	[tilespmem:s16], [sflag:$0x2] =	stream.linear.gather [hbm4b:s21+s4], $0x80, $0x38;
	[tilespmem:$0x18100] =	vst v63  }
0x2f: {  	s21 =	smov.u32 s20  }
0x30: {  	p0 =	sne.s32 s20, $0x4C0;
	s20 =	sadd.s32 $0x20, s20;
	_ =	swait.ge [sflag:s17], $0x80  }
0x31: {  	[sflag:s17] =	ssyncset.done $0x0  }
0x32: {  	[sflag:s17] =	ssyncadd.s32 $0xFFFFFF80  }
0x33: {  	[spmem:s2] =	stream.indirect.scatter.add.f32 [tilespmem:s15], [sflag:$0x3], $0x80, s4, s16, $0xb8;
	[tilespmem:$0x18100] =	vst v63  }
0x34: {  	_ =	swait.ge [sflag:s14], $0x4000  }
0x35: {  	[sflag:s14] =	ssyncset.done $0x0  }
0x36: {  	s22 =	sadd.s32 s21, s12;
	[sflag:s14] =	ssyncadd.s32 $0xFFFFC000  }
0x37: {  	[tilespmem:s4], [sflag:$0x1] =	stream.linear.gather [hbm4b:s22+s4], $0x80, $0x38;
	[tilespmem:$0x18100] =	vst v63  }
0x38: {  	_ =	swait.ge [sflag:s18], $0x80  }
0x39: {  	[sflag:s18] =	ssyncset.done $0x0  }
.Ltmp0:
0x3a: {  	[sflag:s18] =	ssyncadd.s32 $0xFFFFFF80;
	(pc) =	sbr.rel @p0 .LBB2_2-.Ltmp0, $4  }
0x3b: {  	[spmem:s2] =	stream.indirect.scatter.add.f32 [tilespmem:s15], [sflag:$0x3], $0x80, s16, s16, $0xb8;
	[tilespmem:$0x18100] =	vst v63  }
0x3c: {  	_ =	swait.ge [sflag:s14], $0x4000  }
0x3d: {  	[sflag:s14] =	ssyncset.done $0x0  }
0x3e: {  	s21 =	sadd.s32 s21, s11;
	[sflag:s14] =	ssyncadd.s32 $0xFFFFC000  }
0x3f: {  	[tilespmem:s16], [sflag:$0x2] =	stream.linear.gather [hbm4b:s21+s4], $0x80, $0x38;
	[tilespmem:$0x18100] =	vst v63  }
0x40: {  	_ =	swait.ge [sflag:s17], $0x80  }
0x41: {  	[sflag:s17] =	ssyncset.done $0x0  }
0x42: {  	[sflag:s17] =	ssyncadd.s32 $0xFFFFFF80  }
0x43: {  	[spmem:s2] =	stream.indirect.scatter.add.f32 [tilespmem:s15], [sflag:$0x3], $0x80, s4, s16, $0xb8;
	[tilespmem:$0x18100] =	vst v63  }
0x44: {  	_ =	swait.ge [sflag:s14], $0x4000  }
0x45: {  	[sflag:s14] =	ssyncset.done $0x0  }
0x46: {  	[sflag:s14] =	ssyncadd.s32 $0xFFFFC000  }
0x47: {  	_ =	swait.ge [sflag:s18], $0x80  }
0x48: {  	[sflag:s18] =	ssyncset.done $0x0  }
0x49: {  	[sflag:s18] =	ssyncadd.s32 $0xFFFFFF80  }
0x4a: {  	[spmem:s2] =	stream.indirect.scatter.add.f32 [tilespmem:s15], [sflag:$0x3], $0x80, s16, s16, $0xb8;
	[tilespmem:$0x18100] =	vst v63  }
0x4b: {  	_ =	swait.ge [sflag:s14], $0x4000  }
0x4c: {  	s19 =	sadd.s32 $0x1, s19;
	[sflag:s14] =	ssyncset.done $0x0  }
0x4d: {  	p0 =	sne.s32 s19, s10;
	[sflag:s14] =	ssyncadd.s32 $0xFFFFC000  }
.Ltmp1:
0x4e: {  	[bflag:$0x0] =	sbarrier.arrive $0xFFFF;
	(pc) =	sbr.rel @p0 .LBB2_1-.Ltmp1, $4  }
0x4f: {  	[hbm:s9], [sflag:s7] =	dma.local [spmem:s13], $0x2800  }
0x50: {  	_ =	swait.ge [sflag:s14], $0x2800  }
0x51: {  	[sflag:s14] =	ssyncset.done $0x0  }
0x52: {  	[sflag:s14] =	ssyncadd.s32 $0xFFFFD800  }
0x53: {  	_ =	sfence.sel $0x180000  }
0x54: {  	[bflag:$0x0] =	sbarrier.arrive $0xFFFF  }
0x55: {  	p0 =	sne.s32 s3, $0x0;
	_ =	strace $0x90000047  }
0x56: {  	s0 =	sadd.s32 @!p0 $0x100000, s0;
	[bflag:$0x2] =	sbarrier.arrive $0xFFFF  }
0x57: {  	[sflag:s0] =	ssyncadd.tile.s32 @!p0 $0x1;
	_ =	shalt  }
.Lfunc_end2:
_tile_overlayer_lowered:
.L_overlay_start_2:
0x58: {  	(tag) =	ssettag $0x2  }
0x59: {  	s0 =	rddreg [dreg:$0x0];
	s2 =	stileid.u32  }
0x5a: {  	s1 =	rddreg [dreg:$0x1];
	p0 =	sne.s32 s2, $0x0  }
0x5b: {  	s3 =	rddreg [dreg:$0x2];
	[bflag:$0x3] =	sbarrier.arrive $0xFFFF;
	s2 =	simm.s32 @!p0 $0x1C03  }
0x5c: {  	[timem:s3], [sflag:s2] =	dma.local @!p0 [hbm:s0], s1  }
0x5d: {  	s0 =	simm.s32 @!p0 $0x3  }
0x5e: {  	_ =	swait.ge @!p0 [sflag:s0], s1  }
0x5f: {  	s1 =	ssub.s32 @!p0 $0x0, s1;
	[sflag:s0] =	ssyncset.done @!p0 $0x0  }
0x60: {  	[sflag:s0] =	ssyncadd.s32 @!p0 s1  }
0x61: {  	[bflag:$0x3] =	sbarrier.arrive $0xFFFF  }
0x62: {  	_ =	shalt  }

</sc_bundles>
